<compile_context>
chip_gen: v7x
topology: tpu7x:2x2x1
jax: 0.10.2.dev20260603
libtpu: 0.0.44.dev20260713+nightly
codegen_flags: <defaults>
</compile_context>

<pallas_src>
import functools

import jax
import jax.numpy as jnp
from jax import lax
from jax.experimental import pallas as pl
from jax.experimental.pallas import tpu as pltpu
from jax.experimental.pallas import tpu_sc as plsc

N = 10000
E = 320000
D = 128
G = 64
NCLS = 10
NC, NS = 2, 16
NW = NC * NS
NPAD = 10240
RPS = NPAD // NS
RPT = NPAD // NW
TCH = 80
C = 128
NCHUNK = 80
EPAD = NW * NCHUNK * C
EPT = NCHUNK * C
EHALF = EPT // 2
NH = NCHUNK // 2

_mesh = plsc.VectorSubcoreMesh(core_axis_name="c", subcore_axis_name="s")



@functools.partial(
    pl.kernel,
    out_type=(
        jax.ShapeDtypeStruct((NPAD, D), jnp.float32),
        jax.ShapeDtypeStruct((NC, NPAD, D), jnp.float32),
    ),
    mesh=_mesh,
    scratch_types=[
        pltpu.VMEM((EHALF,), jnp.int32),
        pltpu.VMEM((TCH,), jnp.int32),
        pltpu.VMEM((TCH, D), jnp.float32),
        pltpu.VMEM((C, D), jnp.float32),
        pltpu.VMEM_SHARED((NPAD, D), jnp.float32),
        pltpu.SemaphoreType.DMA,
        pltpu.SemaphoreType.DMA,
    ],
)
def _embed_deg_k(tok_hbm, emb_hbm, dst_hbm, z_hbm, ones_hbm,
                 x_hbm, deg_hbm, didx_v, tidx_v, trows_v, ones_v, deg_sh,
                 sem0, sem1):
    cid = lax.axis_index("c")
    sid = lax.axis_index("s")
    wid = sid * NC + cid
    zoff = pl.multiple_of(sid * RPS, 8)
    pltpu.sync_copy(z_hbm.at[pl.ds(zoff, RPS)], deg_sh.at[pl.ds(zoff, RPS)])
    pltpu.sync_copy(ones_hbm, ones_v)
    plsc.subcore_barrier()

    K = 4

    def deg_half(p):
        ebase = pl.multiple_of(wid * EPT + p * EHALF, 8)
        pltpu.sync_copy(dst_hbm.at[pl.ds(ebase, EHALF)], didx_v)

        def edge_body(j, _):
            off = pl.multiple_of(j * C, 8)
            pltpu.async_copy(ones_v, deg_sh.at[didx_v.at[pl.ds(off, C)]],
                             sem0, add=True)

            @pl.when(j >= K)
            def _wait():
                pltpu.make_async_copy(
                    ones_v, deg_sh.at[didx_v.at[pl.ds(off, C)]],
                    sem0).wait()

            return 0

        lax.fori_loop(0, NCHUNK // 2, edge_body, 0)

        def drain_body(j, _):
            pltpu.make_async_copy(
                ones_v, deg_sh.at[didx_v.at[pl.ds(0, C)]], sem0).wait()
            return 0

        lax.fori_loop(0, K, drain_body, 0)

    deg_half(0)
    deg_half(1)

    rbase = wid * RPT

    def tok_body(i, _):
        off = pl.multiple_of(rbase + i * TCH, 8)
        pltpu.sync_copy(tok_hbm.at[pl.ds(off, TCH)], tidx_v)
        pltpu.async_copy(emb_hbm.at[tidx_v], trows_v, sem1).wait()
        pltpu.sync_copy(trows_v, x_hbm.at[pl.ds(off, TCH)])
        return 0

    lax.fori_loop(0, RPT // TCH, tok_body, 0)

    plsc.subcore_barrier()
    pltpu.sync_copy(deg_sh.at[pl.ds(zoff, RPS)],
                    deg_hbm.at[cid, pl.ds(zoff, RPS)])



@functools.partial(
    pl.kernel,
    out_type=jax.ShapeDtypeStruct((NC, NPAD, D), jnp.float32),
    mesh=_mesh,
    scratch_types=[
        pltpu.VMEM((C,), jnp.int32),
        pltpu.VMEM((C,), jnp.int32),
        pltpu.VMEM((C,), jnp.int32),
        pltpu.VMEM((C,), jnp.int32),
        pltpu.VMEM((C, D), jnp.float32),
        pltpu.VMEM((C, D), jnp.float32),
        pltpu.VMEM_SHARED((NPAD, D), jnp.float32),
        pltpu.SemaphoreType.DMA,
        pltpu.SemaphoreType.DMA,
    ],
)
def _agg_k(src_hbm, dst_hbm, h_hbm, z_hbm,
           agg_hbm, s0, s1, d0, d1, buf0, buf1, agg_sh, sem0, sem1):
    cid = lax.axis_index("c")
    sid = lax.axis_index("s")
    wid = sid * NC + cid
    zoff = pl.multiple_of(sid * RPS, 8)
    pltpu.sync_copy(z_hbm.at[pl.ds(zoff, RPS)], agg_sh.at[pl.ds(zoff, RPS)])
    plsc.subcore_barrier()

    ebase = wid * EPT
    pltpu.sync_copy(src_hbm.at[pl.ds(pl.multiple_of(ebase, 8), C)], s0)
    pltpu.sync_copy(dst_hbm.at[pl.ds(pl.multiple_of(ebase, 8), C)], d0)
    pltpu.async_copy(h_hbm.at[s0], buf0, sem0)

    def body(j, _):
        o1 = pl.multiple_of(ebase + (2 * j + 1) * C, 8)
        pltpu.sync_copy(src_hbm.at[pl.ds(o1, C)], s1)
        pltpu.sync_copy(dst_hbm.at[pl.ds(o1, C)], d1)
        pltpu.async_copy(h_hbm.at[s1], buf1, sem1)
        pltpu.make_async_copy(h_hbm.at[s0], buf0, sem0).wait()
        pltpu.sync_copy(buf0, agg_sh.at[d0], add=True)

        @pl.when(j < NH - 1)
        def _next():
            o2 = pl.multiple_of(ebase + (2 * j + 2) * C, 8)
            pltpu.sync_copy(src_hbm.at[pl.ds(o2, C)], s0)
            pltpu.sync_copy(dst_hbm.at[pl.ds(o2, C)], d0)
            pltpu.async_copy(h_hbm.at[s0], buf0, sem0)

        pltpu.make_async_copy(h_hbm.at[s1], buf1, sem1).wait()
        pltpu.sync_copy(buf1, agg_sh.at[d1], add=True)
        return 0

    lax.fori_loop(0, NH, body, 0)

    plsc.subcore_barrier()
    pltpu.sync_copy(agg_sh.at[pl.ds(zoff, RPS)],
                    agg_hbm.at[cid, pl.ds(zoff, RPS)])



_BLK = 256


def _sage_body(h_ref, a0_ref, a1_ref, d0_ref, d1_ref, ws_ref, wn_ref, b_ref,
               o_ref):
    deg = jnp.maximum(d0_ref[:, 0:1] + d1_ref[:, 0:1], 1.0)
    agg = (a0_ref[...] + a1_ref[...]) / deg
    acc = jnp.dot(h_ref[...], ws_ref[...], preferred_element_type=jnp.float32)
    acc += jnp.dot(agg, wn_ref[...], preferred_element_type=jnp.float32)
    o_ref[...] = jnp.maximum(acc + b_ref[...], 0.0)


def _sage(h, a0, a1, d0, d1, Ws, Wn, b):
    grid = (NPAD // _BLK,)
    return pl.pallas_call(
        _sage_body,
        grid=grid,
        in_specs=[
            pl.BlockSpec((_BLK, D), lambda i: (i, 0)),
            pl.BlockSpec((_BLK, D), lambda i: (i, 0)),
            pl.BlockSpec((_BLK, D), lambda i: (i, 0)),
            pl.BlockSpec((_BLK, D), lambda i: (i, 0)),
            pl.BlockSpec((_BLK, D), lambda i: (i, 0)),
            pl.BlockSpec((D, D), lambda i: (0, 0)),
            pl.BlockSpec((D, D), lambda i: (0, 0)),
            pl.BlockSpec((1, D), lambda i: (0, 0)),
        ],
        out_specs=pl.BlockSpec((_BLK, D), lambda i: (i, 0)),
        out_shape=jax.ShapeDtypeStruct((NPAD, D), jnp.float32),
    )(h, a0, a1, d0, d1, Ws, Wn, b)



def _cls_body(h_ref, gid_ref, wc1_ref, bc1_ref, wc2_ref, bc2_ref,
              o_ref, pooled_ref):
    def body(g, _):
        mask = gid_ref[...] == g
        vals = jnp.where(mask, h_ref[...], -jnp.inf)
        pooled_ref[pl.ds(g, 1), :] = jnp.max(vals, axis=0, keepdims=True)
        return 0

    lax.fori_loop(0, G, body, 0)
    pooled = pooled_ref[...]
    pooled = jnp.where(jnp.isfinite(pooled), pooled, 0.0)
    hid = jnp.dot(pooled, wc1_ref[...], preferred_element_type=jnp.float32)
    hid = jnp.maximum(hid + bc1_ref[...], 0.0)
    o_ref[...] = jnp.dot(hid, wc2_ref[...],
                         preferred_element_type=jnp.float32) + bc2_ref[...]


def _classifier(h2, gid, Wc1, bc1, Wc2p, bc2p):
    return pl.pallas_call(
        _cls_body,
        out_shape=jax.ShapeDtypeStruct((G, 128), jnp.float32),
        scratch_shapes=[pltpu.VMEM((G, D), jnp.float32)],
    )(h2, gid, Wc1, bc1, Wc2p, bc2p)



@jax.jit
def kernel(token_ids, edge_index, graph_ids, emb, W_self1, W_neigh1, b1,
           W_self2, W_neigh2, b2, Wc1, bc1, Wc2, bc2):
    tok = jnp.concatenate(
        [token_ids, jnp.zeros((NPAD - N,), jnp.int32)]).astype(jnp.int32)
    src = jnp.concatenate(
        [edge_index[0].astype(jnp.int32),
         jnp.arange(EPAD - E, dtype=jnp.int32) % N])
    dst = jnp.concatenate(
        [edge_index[1].astype(jnp.int32),
         N + jnp.arange(EPAD - E, dtype=jnp.int32) % (NPAD - N)])
    gid = jnp.concatenate(
        [graph_ids, jnp.full((NPAD - N,), G, jnp.int32)]).reshape(NPAD, 1)
    z = jnp.zeros((NPAD, D), jnp.float32)
    ones = jnp.ones((C, D), jnp.float32)

    x, deg = _embed_deg_k(tok, emb, dst, z, ones)
    agg1 = _agg_k(src, dst, x, z)
    h1 = _sage(x, agg1[0], agg1[1], deg[0], deg[1],
               W_self1, W_neigh1, b1.reshape(1, D))
    agg2 = _agg_k(src, dst, h1, z)
    h2 = _sage(h1, agg2[0], agg2[1], deg[0], deg[1],
               W_self2, W_neigh2, b2.reshape(1, D))

    Wc2p = jnp.pad(Wc2, ((0, 0), (0, 128 - NCLS)))
    bc2p = jnp.pad(bc2, (0, 128 - NCLS)).reshape(1, 128)
    logits = _classifier(h2, gid, Wc1, bc1.reshape(1, D), Wc2p, bc2p)
    return logits[:, :NCLS]

# --- scband reference (transcript-rebuilt; emitter-appended) ---
"""Pipeline reference for scband-text-classifier-78795470012582 (READ-ONLY COPY).

The authoritative reference and input builder live on the scoring server;
editing this copy changes nothing except your own understanding.
"""

import jax, jax.numpy as jnp
import numpy as np

N_NODES = 10000
N_EDGES = 320000
D = 128
VOCAB = 30000
N_GRAPHS = 64
N_CLASSES = 10

def setup_inputs(seed: int = 0) -> dict:
    key = jax.random.key(seed)
    ks = jax.random.split(key, 16)
    token_ids = jax.random.randint(ks[0], (N_NODES,), 0, VOCAB, dtype=jnp.int64 if jax.config.read('jax_enable_x64') else jnp.int32).astype(jnp.int32)
    edge_index = jax.random.randint(ks[1], (2, N_EDGES), 0, N_NODES).astype(jnp.int32)
    graph_ids = jnp.sort(jax.random.randint(ks[2], (N_NODES,), 0, N_GRAPHS).astype(jnp.int32))
    s = 1.0 / np.sqrt(D)
    emb = jax.random.normal(ks[3], (VOCAB, D), dtype=jnp.float32) * 0.02
    W_self1 = jax.random.normal(ks[4], (D, D), dtype=jnp.float32) * s
    W_neigh1 = jax.random.normal(ks[5], (D, D), dtype=jnp.float32) * s
    b1 = jnp.zeros((D,), dtype=jnp.float32)
    W_self2 = jax.random.normal(ks[6], (D, D), dtype=jnp.float32) * s
    W_neigh2 = jax.random.normal(ks[7], (D, D), dtype=jnp.float32) * s
    b2 = jnp.zeros((D,), dtype=jnp.float32)
    Wc1 = jax.random.normal(ks[8], (D, D), dtype=jnp.float32) * s
    bc1 = jnp.zeros((D,), dtype=jnp.float32)
    Wc2 = jax.random.normal(ks[9], (D, N_CLASSES), dtype=jnp.float32) * s
    bc2 = jnp.zeros((N_CLASSES,), dtype=jnp.float32)
    return {"token_ids": token_ids, "edge_index": edge_index, "graph_ids": graph_ids,
            "emb": emb, "W_self1": W_self1, "W_neigh1": W_neigh1, "b1": b1,
            "W_self2": W_self2, "W_neigh2": W_neigh2, "b2": b2,
            "Wc1": Wc1, "bc1": bc1, "Wc2": Wc2, "bc2": bc2}

def reference(token_ids, edge_index, graph_ids, emb, W_self1, W_neigh1, b1,
              W_self2, W_neigh2, b2, Wc1, bc1, Wc2, bc2):
    # graph_topology: word embedding lookup -> initial node features
    x = jnp.take(emb, token_ids, axis=0)
    src = edge_index[0]
    dst = edge_index[1]
    n = x.shape[0]
    deg = jax.ops.segment_sum(jnp.ones((src.shape[0],), dtype=jnp.float32), dst, num_segments=n)
    deg = jnp.maximum(deg, 1.0)[:, None]
    def sage_layer(h, Ws, Wn, b):
        msgs = jnp.take(h, src, axis=0)                      # gather src features
        agg = jax.ops.segment_sum(msgs, dst, num_segments=n) / deg  # mean aggregate
        return jax.nn.relu(h @ Ws + agg @ Wn + b)
    h = sage_layer(x, W_self1, W_neigh1, b1)
    h = sage_layer(h, W_self2, W_neigh2, b2)
    # graph max pooling over nodes per graph
    pooled = jax.ops.segment_max(h, graph_ids, num_segments=N_GRAPHS)
    pooled = jnp.where(jnp.isfinite(pooled), pooled, 0.0)
    # FeedForwardNN classifier
    hid = jax.nn.relu(pooled @ Wc1 + bc1)
    logits = hid @ Wc2 + bc2
    return logits

if __name__ == "__main__":
    import jax
    _d = setup_inputs()
    print(jax.jit(kernel)(*tuple(_d.values())))

</pallas_src>

<mosaic_0001>
#map = affine_map<(d0, d1) -> (0)>
#map1 = affine_map<(d0, d1) -> (0, 0)>
#map2 = affine_map<(d0, d1) -> (0, 0, 0)>
module attributes {stable_mosaic.version = 14 : i64} {
  func.func @_agg_k(%arg0: i32, %arg1: i32, %arg2: memref<327680xi32, #tpu.memory_space<hbm>>, %arg3: memref<327680xi32, #tpu.memory_space<hbm>>, %arg4: memref<10240x128xf32, #tpu.memory_space<hbm>>, %arg5: memref<10240x128xf32, #tpu.memory_space<hbm>>, %arg6: memref<2x10240x128xf32, #tpu.memory_space<hbm>>, %arg7: memref<128xi32, #tpu.memory_space<vmem>>, %arg8: memref<128xi32, #tpu.memory_space<vmem>>, %arg9: memref<128xi32, #tpu.memory_space<vmem>>, %arg10: memref<128xi32, #tpu.memory_space<vmem>>, %arg11: memref<128x128xf32, #tpu.memory_space<vmem>>, %arg12: memref<128x128xf32, #tpu.memory_space<vmem>>, %arg13: memref<10240x128xf32, #tpu.memory_space<vmem_shared>>, %arg14: memref<!tpu.dma_semaphore, #tpu.memory_space<semaphore_mem>>, %arg15: memref<!tpu.dma_semaphore, #tpu.memory_space<semaphore_mem>>) attributes {dimension_semantics = [#tpu.dimension_semantics<core_parallel>, #tpu.dimension_semantics<subcore_parallel>], iteration_bounds = array<i64: 2, 16>, scalar_prefetch = 0 : i64, scratch_operands = 9 : i64, tpu.core_type = #tpu.core_type<sc_vector_subcore>, window_params = [{transform_indices = #map}, {transform_indices = #map}, {transform_indices = #map1}, {transform_indices = #map1}, {transform_indices = #map2}]} {
    %mul3A = arith.constant 2 : i32
    %mul3A_0 = arith.muli %arg1, %mul3A : i32
    %add3A = arith.addi %mul3A_0, %arg0 : i32
    %mul3A_1 = arith.constant 640 : i32
    %mul3A_2 = arith.muli %arg1, %mul3A_1 : i32
    %multiple_of3A = tpu.assume_multiple %mul3A_2, 8 : i32
    "tpu.region"() ({
      %run_scoped3A = tpu.sem_alloc : memref<!tpu.dma_semaphore, #tpu.memory_space<semaphore_mem>>
      %dma_start3A_16 = arith.constant 0 : i32
      %dma_start3A_17 = tpu.memref_slice %arg13[%multiple_of3A, %dma_start3A_16] : memref<10240x128xf32, #tpu.memory_space<vmem_shared>> -> memref<640x128xf32, #tpu.memory_space<vmem_shared>>
      %dma_start3A_18 = arith.constant 0 : i32
      %dma_start3A_19 = tpu.memref_slice %arg5[%multiple_of3A, %dma_start3A_18] : memref<10240x128xf32, #tpu.memory_space<hbm>> -> memref<640x128xf32, #tpu.memory_space<hbm>>
      tpu.enqueue_dma source(%dma_start3A_19 : memref<640x128xf32, #tpu.memory_space<hbm>>) target(%dma_start3A_17 : memref<640x128xf32, #tpu.memory_space<vmem_shared>>) target_semaphore(%run_scoped3A : memref<!tpu.dma_semaphore, #tpu.memory_space<semaphore_mem>>)
      %dma_wait3A = arith.constant 0 : i32
      %dma_wait3A_20 = tpu.memref_slice %arg13[%multiple_of3A, %dma_wait3A] : memref<10240x128xf32, #tpu.memory_space<vmem_shared>> -> memref<640x128xf32, #tpu.memory_space<vmem_shared>>
      %dma_wait3A_21 = arith.constant 0 : i32
      %dma_wait3A_22 = tpu.memref_slice %arg5[%multiple_of3A, %dma_wait3A_21] : memref<10240x128xf32, #tpu.memory_space<hbm>> -> memref<640x128xf32, #tpu.memory_space<hbm>>
      tpu.wait_dma2 semaphore(%run_scoped3A : memref<!tpu.dma_semaphore, #tpu.memory_space<semaphore_mem>>) src(%dma_wait3A_22 : memref<640x128xf32, #tpu.memory_space<hbm>>) dst(%dma_wait3A_20 : memref<640x128xf32, #tpu.memory_space<vmem_shared>>)
      tpu.yield
    }) : () -> ()
    %barrier3A = arith.constant 0 : index
    tpu.barrier barrier_id(%barrier3A)
    %mul3A_3 = arith.constant 10240 : i32
    %mul3A_4 = arith.muli %add3A, %mul3A_3 : i32
    %multiple_of3A_5 = tpu.assume_multiple %mul3A_4, 8 : i32
    "tpu.region"() ({
      %run_scoped3A = tpu.sem_alloc : memref<!tpu.dma_semaphore, #tpu.memory_space<semaphore_mem>>
      %dma_start3A_16 = tpu.memref_slice %arg2[%multiple_of3A_5] : memref<327680xi32, #tpu.memory_space<hbm>> -> memref<128xi32, #tpu.memory_space<hbm>>
      %dma_start3A_17 = tpu.memref_slice %arg2[%multiple_of3A_5] : memref<327680xi32, #tpu.memory_space<hbm>> -> memref<128xi32, #tpu.memory_space<hbm>>
      tpu.enqueue_dma source(%dma_start3A_17 : memref<128xi32, #tpu.memory_space<hbm>>) target(%arg7 : memref<128xi32, #tpu.memory_space<vmem>>) target_semaphore(%run_scoped3A : memref<!tpu.dma_semaphore, #tpu.memory_space<semaphore_mem>>)
      %dma_wait3A = tpu.memref_slice %arg2[%multiple_of3A_5] : memref<327680xi32, #tpu.memory_space<hbm>> -> memref<128xi32, #tpu.memory_space<hbm>>
      %dma_wait3A_18 = tpu.memref_slice %arg2[%multiple_of3A_5] : memref<327680xi32, #tpu.memory_space<hbm>> -> memref<128xi32, #tpu.memory_space<hbm>>
      tpu.wait_dma2 semaphore(%run_scoped3A : memref<!tpu.dma_semaphore, #tpu.memory_space<semaphore_mem>>) src(%dma_wait3A_18 : memref<128xi32, #tpu.memory_space<hbm>>) dst(%arg7 : memref<128xi32, #tpu.memory_space<vmem>>)
      tpu.yield
    }) : () -> ()
    %multiple_of3A_6 = tpu.assume_multiple %mul3A_4, 8 : i32
    "tpu.region"() ({
      %run_scoped3A = tpu.sem_alloc : memref<!tpu.dma_semaphore, #tpu.memory_space<semaphore_mem>>
      %dma_start3A_16 = tpu.memref_slice %arg3[%multiple_of3A_6] : memref<327680xi32, #tpu.memory_space<hbm>> -> memref<128xi32, #tpu.memory_space<hbm>>
      %dma_start3A_17 = tpu.memref_slice %arg3[%multiple_of3A_6] : memref<327680xi32, #tpu.memory_space<hbm>> -> memref<128xi32, #tpu.memory_space<hbm>>
      tpu.enqueue_dma source(%dma_start3A_17 : memref<128xi32, #tpu.memory_space<hbm>>) target(%arg9 : memref<128xi32, #tpu.memory_space<vmem>>) target_semaphore(%run_scoped3A : memref<!tpu.dma_semaphore, #tpu.memory_space<semaphore_mem>>)
      %dma_wait3A = tpu.memref_slice %arg3[%multiple_of3A_6] : memref<327680xi32, #tpu.memory_space<hbm>> -> memref<128xi32, #tpu.memory_space<hbm>>
      %dma_wait3A_18 = tpu.memref_slice %arg3[%multiple_of3A_6] : memref<327680xi32, #tpu.memory_space<hbm>> -> memref<128xi32, #tpu.memory_space<hbm>>
      tpu.wait_dma2 semaphore(%run_scoped3A : memref<!tpu.dma_semaphore, #tpu.memory_space<semaphore_mem>>) src(%dma_wait3A_18 : memref<128xi32, #tpu.memory_space<hbm>>) dst(%arg9 : memref<128xi32, #tpu.memory_space<vmem>>)
      tpu.yield
    }) : () -> ()
    %dma_start3A = arith.constant 0 : i32
    %dma_start3A_7 = arith.constant 0 : i32
    %dma_start3A_8 = tpu.memref_slice %arg4[%dma_start3A, %dma_start3A_7] : memref<10240x128xf32, #tpu.memory_space<hbm>> -> memref<10240x128xf32, #tpu.memory_space<hbm>>
    tpu.enqueue_indirect_dma source(%dma_start3A_8 : memref<10240x128xf32, #tpu.memory_space<hbm>>) target(%arg11 : memref<128x128xf32, #tpu.memory_space<vmem>>) offsets(%arg7 : memref<128xi32, #tpu.memory_space<vmem>>) semaphore(%arg14 : memref<!tpu.dma_semaphore, #tpu.memory_space<semaphore_mem>>)
    %scan3A = arith.constant 0 : i32
    %scan3A_9 = arith.constant 0 : i32
    %scan3A_10 = arith.constant 40 : i32
    %scan3A_11 = arith.addi %scan3A_9, %scan3A_10 : i32
    %scan3A_12 = arith.constant 1 : i32
    %scan3A_13 = scf.for %scan3A_16 = %scan3A_9 to %scan3A_11 step %scan3A_12 iter_args(%scan3A_17 = %scan3A) -> (i32)  : i32 {
      %mul3A_18 = arith.constant 2 : i32
      %mul3A_19 = arith.muli %mul3A_18, %scan3A_16 : i32
      %add3A_20 = arith.constant 1 : i32
      %add3A_21 = arith.addi %mul3A_19, %add3A_20 : i32
      %mul3A_22 = arith.constant 128 : i32
      %mul3A_23 = arith.muli %add3A_21, %mul3A_22 : i32
      %add3A_24 = arith.addi %mul3A_4, %mul3A_23 : i32
      %multiple_of3A_25 = tpu.assume_multiple %add3A_24, 8 : i32
      "tpu.region"() ({
        %run_scoped3A = tpu.sem_alloc : memref<!tpu.dma_semaphore, #tpu.memory_space<semaphore_mem>>
        %dma_start3A_37 = tpu.memref_slice %arg2[%multiple_of3A_25] : memref<327680xi32, #tpu.memory_space<hbm>> -> memref<128xi32, #tpu.memory_space<hbm>>
        %dma_start3A_38 = tpu.memref_slice %arg2[%multiple_of3A_25] : memref<327680xi32, #tpu.memory_space<hbm>> -> memref<128xi32, #tpu.memory_space<hbm>>
        tpu.enqueue_dma source(%dma_start3A_38 : memref<128xi32, #tpu.memory_space<hbm>>) target(%arg8 : memref<128xi32, #tpu.memory_space<vmem>>) target_semaphore(%run_scoped3A : memref<!tpu.dma_semaphore, #tpu.memory_space<semaphore_mem>>)
        %dma_wait3A_39 = tpu.memref_slice %arg2[%multiple_of3A_25] : memref<327680xi32, #tpu.memory_space<hbm>> -> memref<128xi32, #tpu.memory_space<hbm>>
        %dma_wait3A_40 = tpu.memref_slice %arg2[%multiple_of3A_25] : memref<327680xi32, #tpu.memory_space<hbm>> -> memref<128xi32, #tpu.memory_space<hbm>>
        tpu.wait_dma2 semaphore(%run_scoped3A : memref<!tpu.dma_semaphore, #tpu.memory_space<semaphore_mem>>) src(%dma_wait3A_40 : memref<128xi32, #tpu.memory_space<hbm>>) dst(%arg8 : memref<128xi32, #tpu.memory_space<vmem>>)
        tpu.yield
      }) : () -> ()
      "tpu.region"() ({
        %run_scoped3A = tpu.sem_alloc : memref<!tpu.dma_semaphore, #tpu.memory_space<semaphore_mem>>
        %dma_start3A_37 = tpu.memref_slice %arg3[%multiple_of3A_25] : memref<327680xi32, #tpu.memory_space<hbm>> -> memref<128xi32, #tpu.memory_space<hbm>>
        %dma_start3A_38 = tpu.memref_slice %arg3[%multiple_of3A_25] : memref<327680xi32, #tpu.memory_space<hbm>> -> memref<128xi32, #tpu.memory_space<hbm>>
        tpu.enqueue_dma source(%dma_start3A_38 : memref<128xi32, #tpu.memory_space<hbm>>) target(%arg10 : memref<128xi32, #tpu.memory_space<vmem>>) target_semaphore(%run_scoped3A : memref<!tpu.dma_semaphore, #tpu.memory_space<semaphore_mem>>)
        %dma_wait3A_39 = tpu.memref_slice %arg3[%multiple_of3A_25] : memref<327680xi32, #tpu.memory_space<hbm>> -> memref<128xi32, #tpu.memory_space<hbm>>
        %dma_wait3A_40 = tpu.memref_slice %arg3[%multiple_of3A_25] : memref<327680xi32, #tpu.memory_space<hbm>> -> memref<128xi32, #tpu.memory_space<hbm>>
        tpu.wait_dma2 semaphore(%run_scoped3A : memref<!tpu.dma_semaphore, #tpu.memory_space<semaphore_mem>>) src(%dma_wait3A_40 : memref<128xi32, #tpu.memory_space<hbm>>) dst(%arg10 : memref<128xi32, #tpu.memory_space<vmem>>)
        tpu.yield
      }) : () -> ()
      %dma_start3A_26 = arith.constant 0 : i32
      %dma_start3A_27 = arith.constant 0 : i32
      %dma_start3A_28 = tpu.memref_slice %arg4[%dma_start3A_26, %dma_start3A_27] : memref<10240x128xf32, #tpu.memory_space<hbm>> -> memref<10240x128xf32, #tpu.memory_space<hbm>>
      tpu.enqueue_indirect_dma source(%dma_start3A_28 : memref<10240x128xf32, #tpu.memory_space<hbm>>) target(%arg12 : memref<128x128xf32, #tpu.memory_space<vmem>>) offsets(%arg8 : memref<128xi32, #tpu.memory_space<vmem>>) semaphore(%arg15 : memref<!tpu.dma_semaphore, #tpu.memory_space<semaphore_mem>>)
      %dma_wait3A = arith.constant 0 : i32
      %dma_wait3A_29 = arith.constant 0 : i32
      %dma_wait3A_30 = tpu.memref_slice %arg4[%dma_wait3A, %dma_wait3A_29] : memref<10240x128xf32, #tpu.memory_space<hbm>> -> memref<10240x128xf32, #tpu.memory_space<hbm>>
      tpu.wait_indirect_dma semaphore(%arg14 : memref<!tpu.dma_semaphore, #tpu.memory_space<semaphore_mem>>) src(%dma_wait3A_30 : memref<10240x128xf32, #tpu.memory_space<hbm>>) dst(%arg11 : memref<128x128xf32, #tpu.memory_space<vmem>>)
      "tpu.region"() ({
        %run_scoped3A = tpu.sem_alloc : memref<!tpu.dma_semaphore, #tpu.memory_space<semaphore_mem>>
        %dma_start3A_37 = arith.constant 0 : i32
        %dma_start3A_38 = arith.constant 0 : i32
        %dma_start3A_39 = tpu.memref_slice %arg13[%dma_start3A_37, %dma_start3A_38] : memref<10240x128xf32, #tpu.memory_space<vmem_shared>> -> memref<10240x128xf32, #tpu.memory_space<vmem_shared>>
        tpu.enqueue_indirect_dma source(%arg11 : memref<128x128xf32, #tpu.memory_space<vmem>>) target(%dma_start3A_39 : memref<10240x128xf32, #tpu.memory_space<vmem_shared>>) offsets(%arg9 : memref<128xi32, #tpu.memory_space<vmem>>) semaphore(%run_scoped3A : memref<!tpu.dma_semaphore, #tpu.memory_space<semaphore_mem>>) {add = true}
        %dma_wait3A_40 = arith.constant 0 : i32
        %dma_wait3A_41 = arith.constant 0 : i32
        %dma_wait3A_42 = tpu.memref_slice %arg13[%dma_wait3A_40, %dma_wait3A_41] : memref<10240x128xf32, #tpu.memory_space<vmem_shared>> -> memref<10240x128xf32, #tpu.memory_space<vmem_shared>>
        tpu.wait_indirect_dma semaphore(%run_scoped3A : memref<!tpu.dma_semaphore, #tpu.memory_space<semaphore_mem>>) src(%arg11 : memref<128x128xf32, #tpu.memory_space<vmem>>) dst(%dma_wait3A_42 : memref<10240x128xf32, #tpu.memory_space<vmem_shared>>)
        tpu.yield
      }) : () -> ()
      %lt3A = arith.constant 39 : i32
      %lt3A_31 = arith.cmpi slt, %scan3A_16, %lt3A : i32
      %convert_element_type3A = arith.extui %lt3A_31 : i1 to i32
      %cond3A = arith.constant 0 : i32
      %cond3A_32 = arith.cmpi ne, %convert_element_type3A, %cond3A : i32
      scf.if %cond3A_32 {
        %mul3A_37 = arith.constant 2 : i32
        %mul3A_38 = arith.muli %mul3A_37, %scan3A_16 : i32
        %add3A_39 = arith.constant 2 : i32
        %add3A_40 = arith.addi %mul3A_38, %add3A_39 : i32
        %mul3A_41 = arith.constant 128 : i32
        %mul3A_42 = arith.muli %add3A_40, %mul3A_41 : i32
        %add3A_43 = arith.addi %mul3A_4, %mul3A_42 : i32
        %multiple_of3A_44 = tpu.assume_multiple %add3A_43, 8 : i32
        "tpu.region"() ({
          %run_scoped3A = tpu.sem_alloc : memref<!tpu.dma_semaphore, #tpu.memory_space<semaphore_mem>>
          %dma_start3A_48 = tpu.memref_slice %arg2[%multiple_of3A_44] : memref<327680xi32, #tpu.memory_space<hbm>> -> memref<128xi32, #tpu.memory_space<hbm>>
          %dma_start3A_49 = tpu.memref_slice %arg2[%multiple_of3A_44] : memref<327680xi32, #tpu.memory_space<hbm>> -> memref<128xi32, #tpu.memory_space<hbm>>
          tpu.enqueue_dma source(%dma_start3A_49 : memref<128xi32, #tpu.memory_space<hbm>>) target(%arg7 : memref<128xi32, #tpu.memory_space<vmem>>) target_semaphore(%run_scoped3A : memref<!tpu.dma_semaphore, #tpu.memory_space<semaphore_mem>>)
          %dma_wait3A_50 = tpu.memref_slice %arg2[%multiple_of3A_44] : memref<327680xi32, #tpu.memory_space<hbm>> -> memref<128xi32, #tpu.memory_space<hbm>>
          %dma_wait3A_51 = tpu.memref_slice %arg2[%multiple_of3A_44] : memref<327680xi32, #tpu.memory_space<hbm>> -> memref<128xi32, #tpu.memory_space<hbm>>
          tpu.wait_dma2 semaphore(%run_scoped3A : memref<!tpu.dma_semaphore, #tpu.memory_space<semaphore_mem>>) src(%dma_wait3A_51 : memref<128xi32, #tpu.memory_space<hbm>>) dst(%arg7 : memref<128xi32, #tpu.memory_space<vmem>>)
          tpu.yield
        }) : () -> ()
        "tpu.region"() ({
          %run_scoped3A = tpu.sem_alloc : memref<!tpu.dma_semaphore, #tpu.memory_space<semaphore_mem>>
          %dma_start3A_48 = tpu.memref_slice %arg3[%multiple_of3A_44] : memref<327680xi32, #tpu.memory_space<hbm>> -> memref<128xi32, #tpu.memory_space<hbm>>
          %dma_start3A_49 = tpu.memref_slice %arg3[%multiple_of3A_44] : memref<327680xi32, #tpu.memory_space<hbm>> -> memref<128xi32, #tpu.memory_space<hbm>>
          tpu.enqueue_dma source(%dma_start3A_49 : memref<128xi32, #tpu.memory_space<hbm>>) target(%arg9 : memref<128xi32, #tpu.memory_space<vmem>>) target_semaphore(%run_scoped3A : memref<!tpu.dma_semaphore, #tpu.memory_space<semaphore_mem>>)
          %dma_wait3A_50 = tpu.memref_slice %arg3[%multiple_of3A_44] : memref<327680xi32, #tpu.memory_space<hbm>> -> memref<128xi32, #tpu.memory_space<hbm>>
          %dma_wait3A_51 = tpu.memref_slice %arg3[%multiple_of3A_44] : memref<327680xi32, #tpu.memory_space<hbm>> -> memref<128xi32, #tpu.memory_space<hbm>>
          tpu.wait_dma2 semaphore(%run_scoped3A : memref<!tpu.dma_semaphore, #tpu.memory_space<semaphore_mem>>) src(%dma_wait3A_51 : memref<128xi32, #tpu.memory_space<hbm>>) dst(%arg9 : memref<128xi32, #tpu.memory_space<vmem>>)
          tpu.yield
        }) : () -> ()
        %dma_start3A_45 = arith.constant 0 : i32
        %dma_start3A_46 = arith.constant 0 : i32
        %dma_start3A_47 = tpu.memref_slice %arg4[%dma_start3A_45, %dma_start3A_46] : memref<10240x128xf32, #tpu.memory_space<hbm>> -> memref<10240x128xf32, #tpu.memory_space<hbm>>
        tpu.enqueue_indirect_dma source(%dma_start3A_47 : memref<10240x128xf32, #tpu.memory_space<hbm>>) target(%arg11 : memref<128x128xf32, #tpu.memory_space<vmem>>) offsets(%arg7 : memref<128xi32, #tpu.memory_space<vmem>>) semaphore(%arg14 : memref<!tpu.dma_semaphore, #tpu.memory_space<semaphore_mem>>)
      } else {
      }
      %dma_wait3A_33 = arith.constant 0 : i32
      %dma_wait3A_34 = arith.constant 0 : i32
      %dma_wait3A_35 = tpu.memref_slice %arg4[%dma_wait3A_33, %dma_wait3A_34] : memref<10240x128xf32, #tpu.memory_space<hbm>> -> memref<10240x128xf32, #tpu.memory_space<hbm>>
      tpu.wait_indirect_dma semaphore(%arg15 : memref<!tpu.dma_semaphore, #tpu.memory_space<semaphore_mem>>) src(%dma_wait3A_35 : memref<10240x128xf32, #tpu.memory_space<hbm>>) dst(%arg12 : memref<128x128xf32, #tpu.memory_space<vmem>>)
      "tpu.region"() ({
        %run_scoped3A = tpu.sem_alloc : memref<!tpu.dma_semaphore, #tpu.memory_space<semaphore_mem>>
        %dma_start3A_37 = arith.constant 0 : i32
        %dma_start3A_38 = arith.constant 0 : i32
        %dma_start3A_39 = tpu.memref_slice %arg13[%dma_start3A_37, %dma_start3A_38] : memref<10240x128xf32, #tpu.memory_space<vmem_shared>> -> memref<10240x128xf32, #tpu.memory_space<vmem_shared>>
        tpu.enqueue_indirect_dma source(%arg12 : memref<128x128xf32, #tpu.memory_space<vmem>>) target(%dma_start3A_39 : memref<10240x128xf32, #tpu.memory_space<vmem_shared>>) offsets(%arg10 : memref<128xi32, #tpu.memory_space<vmem>>) semaphore(%run_scoped3A : memref<!tpu.dma_semaphore, #tpu.memory_space<semaphore_mem>>) {add = true}
        %dma_wait3A_40 = arith.constant 0 : i32
        %dma_wait3A_41 = arith.constant 0 : i32
        %dma_wait3A_42 = tpu.memref_slice %arg13[%dma_wait3A_40, %dma_wait3A_41] : memref<10240x128xf32, #tpu.memory_space<vmem_shared>> -> memref<10240x128xf32, #tpu.memory_space<vmem_shared>>
        tpu.wait_indirect_dma semaphore(%run_scoped3A : memref<!tpu.dma_semaphore, #tpu.memory_space<semaphore_mem>>) src(%arg12 : memref<128x128xf32, #tpu.memory_space<vmem>>) dst(%dma_wait3A_42 : memref<10240x128xf32, #tpu.memory_space<vmem_shared>>)
        tpu.yield
      }) : () -> ()
      %scan3A_36 = arith.constant 0 : i32
      scf.yield %scan3A_36 : i32
    }
    %scan3A_14 = arith.constant 40 : i32
    %barrier3A_15 = arith.constant 0 : index
    tpu.barrier barrier_id(%barrier3A_15)
    "tpu.region"() ({
      %run_scoped3A = tpu.sem_alloc : memref<!tpu.dma_semaphore, #tpu.memory_space<semaphore_mem>>
      %dma_start3A_16 = arith.constant 0 : i32
      %dma_start3A_17 = tpu.memref_slice %arg6[%arg0, %multiple_of3A, %dma_start3A_16] : memref<2x10240x128xf32, #tpu.memory_space<hbm>> -> memref<1x640x128xf32, #tpu.memory_space<hbm>>
      %dma_start3A_18 = tpu.memref_squeeze %dma_start3A_17 : memref<1x640x128xf32, #tpu.memory_space<hbm>> -> memref<640x128xf32, #tpu.memory_space<hbm>>
      %dma_start3A_19 = arith.constant 0 : i32
      %dma_start3A_20 = tpu.memref_slice %arg13[%multiple_of3A, %dma_start3A_19] : memref<10240x128xf32, #tpu.memory_space<vmem_shared>> -> memref<640x128xf32, #tpu.memory_space<vmem_shared>>
      tpu.enqueue_dma source(%dma_start3A_20 : memref<640x128xf32, #tpu.memory_space<vmem_shared>>) target(%dma_start3A_18 : memref<640x128xf32, #tpu.memory_space<hbm>>) target_semaphore(%run_scoped3A : memref<!tpu.dma_semaphore, #tpu.memory_space<semaphore_mem>>)
      %dma_wait3A = arith.constant 0 : i32
      %dma_wait3A_21 = tpu.memref_slice %arg6[%arg0, %multiple_of3A, %dma_wait3A] : memref<2x10240x128xf32, #tpu.memory_space<hbm>> -> memref<1x640x128xf32, #tpu.memory_space<hbm>>
      %dma_wait3A_22 = tpu.memref_squeeze %dma_wait3A_21 : memref<1x640x128xf32, #tpu.memory_space<hbm>> -> memref<640x128xf32, #tpu.memory_space<hbm>>
      %dma_wait3A_23 = arith.constant 0 : i32
      %dma_wait3A_24 = tpu.memref_slice %arg13[%multiple_of3A, %dma_wait3A_23] : memref<10240x128xf32, #tpu.memory_space<vmem_shared>> -> memref<640x128xf32, #tpu.memory_space<vmem_shared>>
      tpu.wait_dma2 semaphore(%run_scoped3A : memref<!tpu.dma_semaphore, #tpu.memory_space<semaphore_mem>>) src(%dma_wait3A_24 : memref<640x128xf32, #tpu.memory_space<vmem_shared>>) dst(%dma_wait3A_22 : memref<640x128xf32, #tpu.memory_space<hbm>>)
      tpu.yield
    }) : () -> ()
    return
  }
}

#map = affine_map<(d0, d1) -> (0)>
#map1 = affine_map<(d0, d1) -> (0, 0)>
#map2 = affine_map<(d0, d1) -> (0, 0, 0)>
module attributes {stable_mosaic.version = 14 : i64} {
  func.func @_agg_k(%arg0: i32, %arg1: i32, %arg2: memref<327680xi32, #tpu.memory_space<hbm>>, %arg3: memref<327680xi32, #tpu.memory_space<hbm>>, %arg4: memref<10240x128xf32, #tpu.memory_space<hbm>>, %arg5: memref<10240x128xf32, #tpu.memory_space<hbm>>, %arg6: memref<2x10240x128xf32, #tpu.memory_space<hbm>>, %arg7: memref<128xi32, #tpu.memory_space<vmem>>, %arg8: memref<128xi32, #tpu.memory_space<vmem>>, %arg9: memref<128xi32, #tpu.memory_space<vmem>>, %arg10: memref<128xi32, #tpu.memory_space<vmem>>, %arg11: memref<128x128xf32, #tpu.memory_space<vmem>>, %arg12: memref<128x128xf32, #tpu.memory_space<vmem>>, %arg13: memref<10240x128xf32, #tpu.memory_space<vmem_shared>>, %arg14: memref<!tpu.dma_semaphore, #tpu.memory_space<semaphore_mem>>, %arg15: memref<!tpu.dma_semaphore, #tpu.memory_space<semaphore_mem>>) attributes {dimension_semantics = [#tpu.dimension_semantics<core_parallel>, #tpu.dimension_semantics<subcore_parallel>], iteration_bounds = array<i64: 2, 16>, scalar_prefetch = 0 : i64, scratch_operands = 9 : i64, tpu.core_type = #tpu.core_type<sc_vector_subcore>, window_params = [{transform_indices = #map}, {transform_indices = #map}, {transform_indices = #map1}, {transform_indices = #map1}, {transform_indices = #map2}]} {
    %mul3A = arith.constant 2 : i32
    %mul3A_0 = arith.muli %arg1, %mul3A : i32
    %add3A = arith.addi %mul3A_0, %arg0 : i32
    %mul3A_1 = arith.constant 640 : i32
    %mul3A_2 = arith.muli %arg1, %mul3A_1 : i32
    %multiple_of3A = tpu.assume_multiple %mul3A_2, 8 : i32
    "tpu.region"() ({
      %run_scoped3A = tpu.sem_alloc : memref<!tpu.dma_semaphore, #tpu.memory_space<semaphore_mem>>
      %dma_start3A_16 = arith.constant 0 : i32
      %dma_start3A_17 = tpu.memref_slice %arg13[%multiple_of3A, %dma_start3A_16] : memref<10240x128xf32, #tpu.memory_space<vmem_shared>> -> memref<640x128xf32, #tpu.memory_space<vmem_shared>>
      %dma_start3A_18 = arith.constant 0 : i32
      %dma_start3A_19 = tpu.memref_slice %arg5[%multiple_of3A, %dma_start3A_18] : memref<10240x128xf32, #tpu.memory_space<hbm>> -> memref<640x128xf32, #tpu.memory_space<hbm>>
      tpu.enqueue_dma source(%dma_start3A_19 : memref<640x128xf32, #tpu.memory_space<hbm>>) target(%dma_start3A_17 : memref<640x128xf32, #tpu.memory_space<vmem_shared>>) target_semaphore(%run_scoped3A : memref<!tpu.dma_semaphore, #tpu.memory_space<semaphore_mem>>)
      %dma_wait3A = arith.constant 0 : i32
      %dma_wait3A_20 = tpu.memref_slice %arg13[%multiple_of3A, %dma_wait3A] : memref<10240x128xf32, #tpu.memory_space<vmem_shared>> -> memref<640x128xf32, #tpu.memory_space<vmem_shared>>
      %dma_wait3A_21 = arith.constant 0 : i32
      %dma_wait3A_22 = tpu.memref_slice %arg5[%multiple_of3A, %dma_wait3A_21] : memref<10240x128xf32, #tpu.memory_space<hbm>> -> memref<640x128xf32, #tpu.memory_space<hbm>>
      tpu.wait_dma2 semaphore(%run_scoped3A : memref<!tpu.dma_semaphore, #tpu.memory_space<semaphore_mem>>) src(%dma_wait3A_22 : memref<640x128xf32, #tpu.memory_space<hbm>>) dst(%dma_wait3A_20 : memref<640x128xf32, #tpu.memory_space<vmem_shared>>)
      tpu.yield
    }) : () -> ()
    %barrier3A = arith.constant 0 : index
    tpu.barrier barrier_id(%barrier3A)
    %mul3A_3 = arith.constant 10240 : i32
    %mul3A_4 = arith.muli %add3A, %mul3A_3 : i32
    %multiple_of3A_5 = tpu.assume_multiple %mul3A_4, 8 : i32
    "tpu.region"() ({
      %run_scoped3A = tpu.sem_alloc : memref<!tpu.dma_semaphore, #tpu.memory_space<semaphore_mem>>
      %dma_start3A_16 = tpu.memref_slice %arg2[%multiple_of3A_5] : memref<327680xi32, #tpu.memory_space<hbm>> -> memref<128xi32, #tpu.memory_space<hbm>>
      %dma_start3A_17 = tpu.memref_slice %arg2[%multiple_of3A_5] : memref<327680xi32, #tpu.memory_space<hbm>> -> memref<128xi32, #tpu.memory_space<hbm>>
      tpu.enqueue_dma source(%dma_start3A_17 : memref<128xi32, #tpu.memory_space<hbm>>) target(%arg7 : memref<128xi32, #tpu.memory_space<vmem>>) target_semaphore(%run_scoped3A : memref<!tpu.dma_semaphore, #tpu.memory_space<semaphore_mem>>)
      %dma_wait3A = tpu.memref_slice %arg2[%multiple_of3A_5] : memref<327680xi32, #tpu.memory_space<hbm>> -> memref<128xi32, #tpu.memory_space<hbm>>
      %dma_wait3A_18 = tpu.memref_slice %arg2[%multiple_of3A_5] : memref<327680xi32, #tpu.memory_space<hbm>> -> memref<128xi32, #tpu.memory_space<hbm>>
      tpu.wait_dma2 semaphore(%run_scoped3A : memref<!tpu.dma_semaphore, #tpu.memory_space<semaphore_mem>>) src(%dma_wait3A_18 : memref<128xi32, #tpu.memory_space<hbm>>) dst(%arg7 : memref<128xi32, #tpu.memory_space<vmem>>)
      tpu.yield
    }) : () -> ()
    %multiple_of3A_6 = tpu.assume_multiple %mul3A_4, 8 : i32
    "tpu.region"() ({
      %run_scoped3A = tpu.sem_alloc : memref<!tpu.dma_semaphore, #tpu.memory_space<semaphore_mem>>
      %dma_start3A_16 = tpu.memref_slice %arg3[%multiple_of3A_6] : memref<327680xi32, #tpu.memory_space<hbm>> -> memref<128xi32, #tpu.memory_space<hbm>>
      %dma_start3A_17 = tpu.memref_slice %arg3[%multiple_of3A_6] : memref<327680xi32, #tpu.memory_space<hbm>> -> memref<128xi32, #tpu.memory_space<hbm>>
      tpu.enqueue_dma source(%dma_start3A_17 : memref<128xi32, #tpu.memory_space<hbm>>) target(%arg9 : memref<128xi32, #tpu.memory_space<vmem>>) target_semaphore(%run_scoped3A : memref<!tpu.dma_semaphore, #tpu.memory_space<semaphore_mem>>)
      %dma_wait3A = tpu.memref_slice %arg3[%multiple_of3A_6] : memref<327680xi32, #tpu.memory_space<hbm>> -> memref<128xi32, #tpu.memory_space<hbm>>
      %dma_wait3A_18 = tpu.memref_slice %arg3[%multiple_of3A_6] : memref<327680xi32, #tpu.memory_space<hbm>> -> memref<128xi32, #tpu.memory_space<hbm>>
      tpu.wait_dma2 semaphore(%run_scoped3A : memref<!tpu.dma_semaphore, #tpu.memory_space<semaphore_mem>>) src(%dma_wait3A_18 : memref<128xi32, #tpu.memory_space<hbm>>) dst(%arg9 : memref<128xi32, #tpu.memory_space<vmem>>)
      tpu.yield
    }) : () -> ()
    %dma_start3A = arith.constant 0 : i32
    %dma_start3A_7 = arith.constant 0 : i32
    %dma_start3A_8 = tpu.memref_slice %arg4[%dma_start3A, %dma_start3A_7] : memref<10240x128xf32, #tpu.memory_space<hbm>> -> memref<10240x128xf32, #tpu.memory_space<hbm>>
    tpu.enqueue_indirect_dma source(%dma_start3A_8 : memref<10240x128xf32, #tpu.memory_space<hbm>>) target(%arg11 : memref<128x128xf32, #tpu.memory_space<vmem>>) offsets(%arg7 : memref<128xi32, #tpu.memory_space<vmem>>) semaphore(%arg14 : memref<!tpu.dma_semaphore, #tpu.memory_space<semaphore_mem>>)
    %scan3A = arith.constant 0 : i32
    %scan3A_9 = arith.constant 0 : i32
    %scan3A_10 = arith.constant 40 : i32
    %scan3A_11 = arith.addi %scan3A_9, %scan3A_10 : i32
    %scan3A_12 = arith.constant 1 : i32
    %scan3A_13 = scf.for %scan3A_16 = %scan3A_9 to %scan3A_11 step %scan3A_12 iter_args(%scan3A_17 = %scan3A) -> (i32)  : i32 {
      %mul3A_18 = arith.constant 2 : i32
      %mul3A_19 = arith.muli %mul3A_18, %scan3A_16 : i32
      %add3A_20 = arith.constant 1 : i32
      %add3A_21 = arith.addi %mul3A_19, %add3A_20 : i32
      %mul3A_22 = arith.constant 128 : i32
      %mul3A_23 = arith.muli %add3A_21, %mul3A_22 : i32
      %add3A_24 = arith.addi %mul3A_4, %mul3A_23 : i32
      %multiple_of3A_25 = tpu.assume_multiple %add3A_24, 8 : i32
      "tpu.region"() ({
        %run_scoped3A = tpu.sem_alloc : memref<!tpu.dma_semaphore, #tpu.memory_space<semaphore_mem>>
        %dma_start3A_37 = tpu.memref_slice %arg2[%multiple_of3A_25] : memref<327680xi32, #tpu.memory_space<hbm>> -> memref<128xi32, #tpu.memory_space<hbm>>
        %dma_start3A_38 = tpu.memref_slice %arg2[%multiple_of3A_25] : memref<327680xi32, #tpu.memory_space<hbm>> -> memref<128xi32, #tpu.memory_space<hbm>>
        tpu.enqueue_dma source(%dma_start3A_38 : memref<128xi32, #tpu.memory_space<hbm>>) target(%arg8 : memref<128xi32, #tpu.memory_space<vmem>>) target_semaphore(%run_scoped3A : memref<!tpu.dma_semaphore, #tpu.memory_space<semaphore_mem>>)
        %dma_wait3A_39 = tpu.memref_slice %arg2[%multiple_of3A_25] : memref<327680xi32, #tpu.memory_space<hbm>> -> memref<128xi32, #tpu.memory_space<hbm>>
        %dma_wait3A_40 = tpu.memref_slice %arg2[%multiple_of3A_25] : memref<327680xi32, #tpu.memory_space<hbm>> -> memref<128xi32, #tpu.memory_space<hbm>>
        tpu.wait_dma2 semaphore(%run_scoped3A : memref<!tpu.dma_semaphore, #tpu.memory_space<semaphore_mem>>) src(%dma_wait3A_40 : memref<128xi32, #tpu.memory_space<hbm>>) dst(%arg8 : memref<128xi32, #tpu.memory_space<vmem>>)
        tpu.yield
      }) : () -> ()
      "tpu.region"() ({
        %run_scoped3A = tpu.sem_alloc : memref<!tpu.dma_semaphore, #tpu.memory_space<semaphore_mem>>
        %dma_start3A_37 = tpu.memref_slice %arg3[%multiple_of3A_25] : memref<327680xi32, #tpu.memory_space<hbm>> -> memref<128xi32, #tpu.memory_space<hbm>>
        %dma_start3A_38 = tpu.memref_slice %arg3[%multiple_of3A_25] : memref<327680xi32, #tpu.memory_space<hbm>> -> memref<128xi32, #tpu.memory_space<hbm>>
        tpu.enqueue_dma source(%dma_start3A_38 : memref<128xi32, #tpu.memory_space<hbm>>) target(%arg10 : memref<128xi32, #tpu.memory_space<vmem>>) target_semaphore(%run_scoped3A : memref<!tpu.dma_semaphore, #tpu.memory_space<semaphore_mem>>)
        %dma_wait3A_39 = tpu.memref_slice %arg3[%multiple_of3A_25] : memref<327680xi32, #tpu.memory_space<hbm>> -> memref<128xi32, #tpu.memory_space<hbm>>
        %dma_wait3A_40 = tpu.memref_slice %arg3[%multiple_of3A_25] : memref<327680xi32, #tpu.memory_space<hbm>> -> memref<128xi32, #tpu.memory_space<hbm>>
        tpu.wait_dma2 semaphore(%run_scoped3A : memref<!tpu.dma_semaphore, #tpu.memory_space<semaphore_mem>>) src(%dma_wait3A_40 : memref<128xi32, #tpu.memory_space<hbm>>) dst(%arg10 : memref<128xi32, #tpu.memory_space<vmem>>)
        tpu.yield
      }) : () -> ()
      %dma_start3A_26 = arith.constant 0 : i32
      %dma_start3A_27 = arith.constant 0 : i32
      %dma_start3A_28 = tpu.memref_slice %arg4[%dma_start3A_26, %dma_start3A_27] : memref<10240x128xf32, #tpu.memory_space<hbm>> -> memref<10240x128xf32, #tpu.memory_space<hbm>>
      tpu.enqueue_indirect_dma source(%dma_start3A_28 : memref<10240x128xf32, #tpu.memory_space<hbm>>) target(%arg12 : memref<128x128xf32, #tpu.memory_space<vmem>>) offsets(%arg8 : memref<128xi32, #tpu.memory_space<vmem>>) semaphore(%arg15 : memref<!tpu.dma_semaphore, #tpu.memory_space<semaphore_mem>>)
      %dma_wait3A = arith.constant 0 : i32
      %dma_wait3A_29 = arith.constant 0 : i32
      %dma_wait3A_30 = tpu.memref_slice %arg4[%dma_wait3A, %dma_wait3A_29] : memref<10240x128xf32, #tpu.memory_space<hbm>> -> memref<10240x128xf32, #tpu.memory_space<hbm>>
      tpu.wait_indirect_dma semaphore(%arg14 : memref<!tpu.dma_semaphore, #tpu.memory_space<semaphore_mem>>) src(%dma_wait3A_30 : memref<10240x128xf32, #tpu.memory_space<hbm>>) dst(%arg11 : memref<128x128xf32, #tpu.memory_space<vmem>>)
      "tpu.region"() ({
        %run_scoped3A = tpu.sem_alloc : memref<!tpu.dma_semaphore, #tpu.memory_space<semaphore_mem>>
        %dma_start3A_37 = arith.constant 0 : i32
        %dma_start3A_38 = arith.constant 0 : i32
        %dma_start3A_39 = tpu.memref_slice %arg13[%dma_start3A_37, %dma_start3A_38] : memref<10240x128xf32, #tpu.memory_space<vmem_shared>> -> memref<10240x128xf32, #tpu.memory_space<vmem_shared>>
        tpu.enqueue_indirect_dma source(%arg11 : memref<128x128xf32, #tpu.memory_space<vmem>>) target(%dma_start3A_39 : memref<10240x128xf32, #tpu.memory_space<vmem_shared>>) offsets(%arg9 : memref<128xi32, #tpu.memory_space<vmem>>) semaphore(%run_scoped3A : memref<!tpu.dma_semaphore, #tpu.memory_space<semaphore_mem>>) {add = true}
        %dma_wait3A_40 = arith.constant 0 : i32
        %dma_wait3A_41 = arith.constant 0 : i32
        %dma_wait3A_42 = tpu.memref_slice %arg13[%dma_wait3A_40, %dma_wait3A_41] : memref<10240x128xf32, #tpu.memory_space<vmem_shared>> -> memref<10240x128xf32, #tpu.memory_space<vmem_shared>>
        tpu.wait_indirect_dma semaphore(%run_scoped3A : memref<!tpu.dma_semaphore, #tpu.memory_space<semaphore_mem>>) src(%arg11 : memref<128x128xf32, #tpu.memory_space<vmem>>) dst(%dma_wait3A_42 : memref<10240x128xf32, #tpu.memory_space<vmem_shared>>)
        tpu.yield
      }) : () -> ()
      %lt3A = arith.constant 39 : i32
      %lt3A_31 = arith.cmpi slt, %scan3A_16, %lt3A : i32
      %convert_element_type3A = arith.extui %lt3A_31 : i1 to i32
      %cond3A = arith.constant 0 : i32
      %cond3A_32 = arith.cmpi ne, %convert_element_type3A, %cond3A : i32
      scf.if %cond3A_32 {
        %mul3A_37 = arith.constant 2 : i32
        %mul3A_38 = arith.muli %mul3A_37, %scan3A_16 : i32
        %add3A_39 = arith.constant 2 : i32
        %add3A_40 = arith.addi %mul3A_38, %add3A_39 : i32
        %mul3A_41 = arith.constant 128 : i32
        %mul3A_42 = arith.muli %add3A_40, %mul3A_41 : i32
        %add3A_43 = arith.addi %mul3A_4, %mul3A_42 : i32
        %multiple_of3A_44 = tpu.assume_multiple %add3A_43, 8 : i32
        "tpu.region"() ({
          %run_scoped3A = tpu.sem_alloc : memref<!tpu.dma_semaphore, #tpu.memory_space<semaphore_mem>>
          %dma_start3A_48 = tpu.memref_slice %arg2[%multiple_of3A_44] : memref<327680xi32, #tpu.memory_space<hbm>> -> memref<128xi32, #tpu.memory_space<hbm>>
          %dma_start3A_49 = tpu.memref_slice %arg2[%multiple_of3A_44] : memref<327680xi32, #tpu.memory_space<hbm>> -> memref<128xi32, #tpu.memory_space<hbm>>
          tpu.enqueue_dma source(%dma_start3A_49 : memref<128xi32, #tpu.memory_space<hbm>>) target(%arg7 : memref<128xi32, #tpu.memory_space<vmem>>) target_semaphore(%run_scoped3A : memref<!tpu.dma_semaphore, #tpu.memory_space<semaphore_mem>>)
          %dma_wait3A_50 = tpu.memref_slice %arg2[%multiple_of3A_44] : memref<327680xi32, #tpu.memory_space<hbm>> -> memref<128xi32, #tpu.memory_space<hbm>>
          %dma_wait3A_51 = tpu.memref_slice %arg2[%multiple_of3A_44] : memref<327680xi32, #tpu.memory_space<hbm>> -> memref<128xi32, #tpu.memory_space<hbm>>
          tpu.wait_dma2 semaphore(%run_scoped3A : memref<!tpu.dma_semaphore, #tpu.memory_space<semaphore_mem>>) src(%dma_wait3A_51 : memref<128xi32, #tpu.memory_space<hbm>>) dst(%arg7 : memref<128xi32, #tpu.memory_space<vmem>>)
          tpu.yield
        }) : () -> ()
        "tpu.region"() ({
          %run_scoped3A = tpu.sem_alloc : memref<!tpu.dma_semaphore, #tpu.memory_space<semaphore_mem>>
          %dma_start3A_48 = tpu.memref_slice %arg3[%multiple_of3A_44] : memref<327680xi32, #tpu.memory_space<hbm>> -> memref<128xi32, #tpu.memory_space<hbm>>
          %dma_start3A_49 = tpu.memref_slice %arg3[%multiple_of3A_44] : memref<327680xi32, #tpu.memory_space<hbm>> -> memref<128xi32, #tpu.memory_space<hbm>>
          tpu.enqueue_dma source(%dma_start3A_49 : memref<128xi32, #tpu.memory_space<hbm>>) target(%arg9 : memref<128xi32, #tpu.memory_space<vmem>>) target_semaphore(%run_scoped3A : memref<!tpu.dma_semaphore, #tpu.memory_space<semaphore_mem>>)
          %dma_wait3A_50 = tpu.memref_slice %arg3[%multiple_of3A_44] : memref<327680xi32, #tpu.memory_space<hbm>> -> memref<128xi32, #tpu.memory_space<hbm>>
          %dma_wait3A_51 = tpu.memref_slice %arg3[%multiple_of3A_44] : memref<327680xi32, #tpu.memory_space<hbm>> -> memref<128xi32, #tpu.memory_space<hbm>>
          tpu.wait_dma2 semaphore(%run_scoped3A : memref<!tpu.dma_semaphore, #tpu.memory_space<semaphore_mem>>) src(%dma_wait3A_51 : memref<128xi32, #tpu.memory_space<hbm>>) dst(%arg9 : memref<128xi32, #tpu.memory_space<vmem>>)
          tpu.yield
        }) : () -> ()
        %dma_start3A_45 = arith.constant 0 : i32
        %dma_start3A_46 = arith.constant 0 : i32
        %dma_start3A_47 = tpu.memref_slice %arg4[%dma_start3A_45, %dma_start3A_46] : memref<10240x128xf32, #tpu.memory_space<hbm>> -> memref<10240x128xf32, #tpu.memory_space<hbm>>
        tpu.enqueue_indirect_dma source(%dma_start3A_47 : memref<10240x128xf32, #tpu.memory_space<hbm>>) target(%arg11 : memref<128x128xf32, #tpu.memory_space<vmem>>) offsets(%arg7 : memref<128xi32, #tpu.memory_space<vmem>>) semaphore(%arg14 : memref<!tpu.dma_semaphore, #tpu.memory_space<semaphore_mem>>)
      } else {
      }
      %dma_wait3A_33 = arith.constant 0 : i32
      %dma_wait3A_34 = arith.constant 0 : i32
      %dma_wait3A_35 = tpu.memref_slice %arg4[%dma_wait3A_33, %dma_wait3A_34] : memref<10240x128xf32, #tpu.memory_space<hbm>> -> memref<10240x128xf32, #tpu.memory_space<hbm>>
      tpu.wait_indirect_dma semaphore(%arg15 : memref<!tpu.dma_semaphore, #tpu.memory_space<semaphore_mem>>) src(%dma_wait3A_35 : memref<10240x128xf32, #tpu.memory_space<hbm>>) dst(%arg12 : memref<128x128xf32, #tpu.memory_space<vmem>>)
      "tpu.region"() ({
        %run_scoped3A = tpu.sem_alloc : memref<!tpu.dma_semaphore, #tpu.memory_space<semaphore_mem>>
        %dma_start3A_37 = arith.constant 0 : i32
        %dma_start3A_38 = arith.constant 0 : i32
        %dma_start3A_39 = tpu.memref_slice %arg13[%dma_start3A_37, %dma_start3A_38] : memref<10240x128xf32, #tpu.memory_space<vmem_shared>> -> memref<10240x128xf32, #tpu.memory_space<vmem_shared>>
        tpu.enqueue_indirect_dma source(%arg12 : memref<128x128xf32, #tpu.memory_space<vmem>>) target(%dma_start3A_39 : memref<10240x128xf32, #tpu.memory_space<vmem_shared>>) offsets(%arg10 : memref<128xi32, #tpu.memory_space<vmem>>) semaphore(%run_scoped3A : memref<!tpu.dma_semaphore, #tpu.memory_space<semaphore_mem>>) {add = true}
        %dma_wait3A_40 = arith.constant 0 : i32
        %dma_wait3A_41 = arith.constant 0 : i32
        %dma_wait3A_42 = tpu.memref_slice %arg13[%dma_wait3A_40, %dma_wait3A_41] : memref<10240x128xf32, #tpu.memory_space<vmem_shared>> -> memref<10240x128xf32, #tpu.memory_space<vmem_shared>>
        tpu.wait_indirect_dma semaphore(%run_scoped3A : memref<!tpu.dma_semaphore, #tpu.memory_space<semaphore_mem>>) src(%arg12 : memref<128x128xf32, #tpu.memory_space<vmem>>) dst(%dma_wait3A_42 : memref<10240x128xf32, #tpu.memory_space<vmem_shared>>)
        tpu.yield
      }) : () -> ()
      %scan3A_36 = arith.constant 0 : i32
      scf.yield %scan3A_36 : i32
    }
    %scan3A_14 = arith.constant 40 : i32
    %barrier3A_15 = arith.constant 0 : index
    tpu.barrier barrier_id(%barrier3A_15)
    "tpu.region"() ({
      %run_scoped3A = tpu.sem_alloc : memref<!tpu.dma_semaphore, #tpu.memory_space<semaphore_mem>>
      %dma_start3A_16 = arith.constant 0 : i32
      %dma_start3A_17 = tpu.memref_slice %arg6[%arg0, %multiple_of3A, %dma_start3A_16] : memref<2x10240x128xf32, #tpu.memory_space<hbm>> -> memref<1x640x128xf32, #tpu.memory_space<hbm>>
      %dma_start3A_18 = tpu.memref_squeeze %dma_start3A_17 : memref<1x640x128xf32, #tpu.memory_space<hbm>> -> memref<640x128xf32, #tpu.memory_space<hbm>>
      %dma_start3A_19 = arith.constant 0 : i32
      %dma_start3A_20 = tpu.memref_slice %arg13[%multiple_of3A, %dma_start3A_19] : memref<10240x128xf32, #tpu.memory_space<vmem_shared>> -> memref<640x128xf32, #tpu.memory_space<vmem_shared>>
      tpu.enqueue_dma source(%dma_start3A_20 : memref<640x128xf32, #tpu.memory_space<vmem_shared>>) target(%dma_start3A_18 : memref<640x128xf32, #tpu.memory_space<hbm>>) target_semaphore(%run_scoped3A : memref<!tpu.dma_semaphore, #tpu.memory_space<semaphore_mem>>)
      %dma_wait3A = arith.constant 0 : i32
      %dma_wait3A_21 = tpu.memref_slice %arg6[%arg0, %multiple_of3A, %dma_wait3A] : memref<2x10240x128xf32, #tpu.memory_space<hbm>> -> memref<1x640x128xf32, #tpu.memory_space<hbm>>
      %dma_wait3A_22 = tpu.memref_squeeze %dma_wait3A_21 : memref<1x640x128xf32, #tpu.memory_space<hbm>> -> memref<640x128xf32, #tpu.memory_space<hbm>>
      %dma_wait3A_23 = arith.constant 0 : i32
      %dma_wait3A_24 = tpu.memref_slice %arg13[%multiple_of3A, %dma_wait3A_23] : memref<10240x128xf32, #tpu.memory_space<vmem_shared>> -> memref<640x128xf32, #tpu.memory_space<vmem_shared>>
      tpu.wait_dma2 semaphore(%run_scoped3A : memref<!tpu.dma_semaphore, #tpu.memory_space<semaphore_mem>>) src(%dma_wait3A_24 : memref<640x128xf32, #tpu.memory_space<vmem_shared>>) dst(%dma_wait3A_22 : memref<640x128xf32, #tpu.memory_space<hbm>>)
      tpu.yield
    }) : () -> ()
    return
  }
}

#map = affine_map<(d0, d1) -> (0)>
#map1 = affine_map<(d0, d1) -> (0, 0)>
#map2 = affine_map<(d0, d1) -> (0, 0, 0)>
module attributes {stable_mosaic.version = 14 : i64} {
  func.func @_embed_deg_k(%arg0: i32, %arg1: i32, %arg2: memref<10240xi32, #tpu.memory_space<hbm>>, %arg3: memref<30000x128xf32, #tpu.memory_space<hbm>>, %arg4: memref<327680xi32, #tpu.memory_space<hbm>>, %arg5: memref<10240x128xf32, #tpu.memory_space<hbm>>, %arg6: memref<128x128xf32, #tpu.memory_space<hbm>>, %arg7: memref<10240x128xf32, #tpu.memory_space<hbm>>, %arg8: memref<2x10240x128xf32, #tpu.memory_space<hbm>>, %arg9: memref<5120xi32, #tpu.memory_space<vmem>>, %arg10: memref<80xi32, #tpu.memory_space<vmem>>, %arg11: memref<80x128xf32, #tpu.memory_space<vmem>>, %arg12: memref<128x128xf32, #tpu.memory_space<vmem>>, %arg13: memref<10240x128xf32, #tpu.memory_space<vmem_shared>>, %arg14: memref<!tpu.dma_semaphore, #tpu.memory_space<semaphore_mem>>, %arg15: memref<!tpu.dma_semaphore, #tpu.memory_space<semaphore_mem>>) attributes {dimension_semantics = [#tpu.dimension_semantics<core_parallel>, #tpu.dimension_semantics<subcore_parallel>], iteration_bounds = array<i64: 2, 16>, scalar_prefetch = 0 : i64, scratch_operands = 7 : i64, tpu.core_type = #tpu.core_type<sc_vector_subcore>, window_params = [{transform_indices = #map}, {transform_indices = #map1}, {transform_indices = #map}, {transform_indices = #map1}, {transform_indices = #map1}, {transform_indices = #map1}, {transform_indices = #map2}]} {
    %mul3A = arith.constant 2 : i32
    %mul3A_0 = arith.muli %arg1, %mul3A : i32
    %add3A = arith.addi %mul3A_0, %arg0 : i32
    %mul3A_1 = arith.constant 640 : i32
    %mul3A_2 = arith.muli %arg1, %mul3A_1 : i32
    %multiple_of3A = tpu.assume_multiple %mul3A_2, 8 : i32
    "tpu.region"() ({
      %run_scoped3A = tpu.sem_alloc : memref<!tpu.dma_semaphore, #tpu.memory_space<semaphore_mem>>
      %dma_start3A = arith.constant 0 : i32
      %dma_start3A_50 = tpu.memref_slice %arg13[%multiple_of3A, %dma_start3A] : memref<10240x128xf32, #tpu.memory_space<vmem_shared>> -> memref<640x128xf32, #tpu.memory_space<vmem_shared>>
      %dma_start3A_51 = arith.constant 0 : i32
      %dma_start3A_52 = tpu.memref_slice %arg5[%multiple_of3A, %dma_start3A_51] : memref<10240x128xf32, #tpu.memory_space<hbm>> -> memref<640x128xf32, #tpu.memory_space<hbm>>
      tpu.enqueue_dma source(%dma_start3A_52 : memref<640x128xf32, #tpu.memory_space<hbm>>) target(%dma_start3A_50 : memref<640x128xf32, #tpu.memory_space<vmem_shared>>) target_semaphore(%run_scoped3A : memref<!tpu.dma_semaphore, #tpu.memory_space<semaphore_mem>>)
      %dma_wait3A = arith.constant 0 : i32
      %dma_wait3A_53 = tpu.memref_slice %arg13[%multiple_of3A, %dma_wait3A] : memref<10240x128xf32, #tpu.memory_space<vmem_shared>> -> memref<640x128xf32, #tpu.memory_space<vmem_shared>>
      %dma_wait3A_54 = arith.constant 0 : i32
      %dma_wait3A_55 = tpu.memref_slice %arg5[%multiple_of3A, %dma_wait3A_54] : memref<10240x128xf32, #tpu.memory_space<hbm>> -> memref<640x128xf32, #tpu.memory_space<hbm>>
      tpu.wait_dma2 semaphore(%run_scoped3A : memref<!tpu.dma_semaphore, #tpu.memory_space<semaphore_mem>>) src(%dma_wait3A_55 : memref<640x128xf32, #tpu.memory_space<hbm>>) dst(%dma_wait3A_53 : memref<640x128xf32, #tpu.memory_space<vmem_shared>>)
      tpu.yield
    }) : () -> ()
    "tpu.region"() ({
      %run_scoped3A = tpu.sem_alloc : memref<!tpu.dma_semaphore, #tpu.memory_space<semaphore_mem>>
      tpu.enqueue_dma source(%arg6 : memref<128x128xf32, #tpu.memory_space<hbm>>) target(%arg12 : memref<128x128xf32, #tpu.memory_space<vmem>>) target_semaphore(%run_scoped3A : memref<!tpu.dma_semaphore, #tpu.memory_space<semaphore_mem>>)
      tpu.wait_dma2 semaphore(%run_scoped3A : memref<!tpu.dma_semaphore, #tpu.memory_space<semaphore_mem>>) src(%arg6 : memref<128x128xf32, #tpu.memory_space<hbm>>) dst(%arg12 : memref<128x128xf32, #tpu.memory_space<vmem>>)
      tpu.yield
    }) : () -> ()
    %barrier3A = arith.constant 0 : index
    tpu.barrier barrier_id(%barrier3A)
    %mul3A_3 = arith.constant 10240 : i32
    %mul3A_4 = arith.muli %add3A, %mul3A_3 : i32
    %add3A_5 = arith.constant 0 : i32
    %add3A_6 = arith.addi %mul3A_4, %add3A_5 : i32
    %multiple_of3A_7 = tpu.assume_multiple %add3A_6, 8 : i32
    "tpu.region"() ({
      %run_scoped3A = tpu.sem_alloc : memref<!tpu.dma_semaphore, #tpu.memory_space<semaphore_mem>>
      %dma_start3A = tpu.memref_slice %arg4[%multiple_of3A_7] : memref<327680xi32, #tpu.memory_space<hbm>> -> memref<5120xi32, #tpu.memory_space<hbm>>
      %dma_start3A_50 = tpu.memref_slice %arg4[%multiple_of3A_7] : memref<327680xi32, #tpu.memory_space<hbm>> -> memref<5120xi32, #tpu.memory_space<hbm>>
      tpu.enqueue_dma source(%dma_start3A_50 : memref<5120xi32, #tpu.memory_space<hbm>>) target(%arg9 : memref<5120xi32, #tpu.memory_space<vmem>>) target_semaphore(%run_scoped3A : memref<!tpu.dma_semaphore, #tpu.memory_space<semaphore_mem>>)
      %dma_wait3A = tpu.memref_slice %arg4[%multiple_of3A_7] : memref<327680xi32, #tpu.memory_space<hbm>> -> memref<5120xi32, #tpu.memory_space<hbm>>
      %dma_wait3A_51 = tpu.memref_slice %arg4[%multiple_of3A_7] : memref<327680xi32, #tpu.memory_space<hbm>> -> memref<5120xi32, #tpu.memory_space<hbm>>
      tpu.wait_dma2 semaphore(%run_scoped3A : memref<!tpu.dma_semaphore, #tpu.memory_space<semaphore_mem>>) src(%dma_wait3A_51 : memref<5120xi32, #tpu.memory_space<hbm>>) dst(%arg9 : memref<5120xi32, #tpu.memory_space<vmem>>)
      tpu.yield
    }) : () -> ()
    %scan3A = arith.constant 0 : i32
    %scan3A_8 = arith.constant 0 : i32
    %scan3A_9 = arith.constant 40 : i32
    %scan3A_10 = arith.addi %scan3A_8, %scan3A_9 : i32
    %scan3A_11 = arith.constant 1 : i32
    %scan3A_12 = scf.for %scan3A_50 = %scan3A_8 to %scan3A_10 step %scan3A_11 iter_args(%scan3A_51 = %scan3A) -> (i32)  : i32 {
      %mul3A_52 = arith.constant 128 : i32
      %mul3A_53 = arith.muli %scan3A_50, %mul3A_52 : i32
      %multiple_of3A_54 = tpu.assume_multiple %mul3A_53, 8 : i32
      %dma_start3A = tpu.memref_slice %arg9[%multiple_of3A_54] : memref<5120xi32, #tpu.memory_space<vmem>> -> memref<128xi32, #tpu.memory_space<vmem>>
      %dma_start3A_55 = arith.constant 0 : i32
      %dma_start3A_56 = arith.constant 0 : i32
      %dma_start3A_57 = tpu.memref_slice %arg13[%dma_start3A_55, %dma_start3A_56] : memref<10240x128xf32, #tpu.memory_space<vmem_shared>> -> memref<10240x128xf32, #tpu.memory_space<vmem_shared>>
      tpu.enqueue_indirect_dma source(%arg12 : memref<128x128xf32, #tpu.memory_space<vmem>>) target(%dma_start3A_57 : memref<10240x128xf32, #tpu.memory_space<vmem_shared>>) offsets(%dma_start3A : memref<128xi32, #tpu.memory_space<vmem>>) semaphore(%arg14 : memref<!tpu.dma_semaphore, #tpu.memory_space<semaphore_mem>>) {add = true}
      %ge3A = arith.constant 4 : i32
      %ge3A_58 = arith.cmpi sge, %scan3A_50, %ge3A : i32
      %convert_element_type3A = arith.extui %ge3A_58 : i1 to i32
      %cond3A = arith.constant 0 : i32
      %cond3A_59 = arith.cmpi ne, %convert_element_type3A, %cond3A : i32
      scf.if %cond3A_59 {
        %dma_wait3A = tpu.memref_slice %arg9[%multiple_of3A_54] : memref<5120xi32, #tpu.memory_space<vmem>> -> memref<128xi32, #tpu.memory_space<vmem>>
        %dma_wait3A_61 = arith.constant 0 : i32
        %dma_wait3A_62 = arith.constant 0 : i32
        %dma_wait3A_63 = tpu.memref_slice %arg13[%dma_wait3A_61, %dma_wait3A_62] : memref<10240x128xf32, #tpu.memory_space<vmem_shared>> -> memref<10240x128xf32, #tpu.memory_space<vmem_shared>>
        tpu.wait_indirect_dma semaphore(%arg14 : memref<!tpu.dma_semaphore, #tpu.memory_space<semaphore_mem>>) src(%arg12 : memref<128x128xf32, #tpu.memory_space<vmem>>) dst(%dma_wait3A_63 : memref<10240x128xf32, #tpu.memory_space<vmem_shared>>)
      } else {
      }
      %scan3A_60 = arith.constant 0 : i32
      scf.yield %scan3A_60 : i32
    }
    %scan3A_13 = arith.constant 40 : i32
    %scan3A_14 = arith.constant 0 : i32
    %scan3A_15 = arith.constant 0 : i32
    %scan3A_16 = arith.constant 4 : i32
    %scan3A_17 = arith.addi %scan3A_15, %scan3A_16 : i32
    %scan3A_18 = arith.constant 1 : i32
    %scan3A_19 = scf.for %scan3A_50 = %scan3A_15 to %scan3A_17 step %scan3A_18 iter_args(%scan3A_51 = %scan3A_14) -> (i32)  : i32 {
      %dma_wait3A = arith.constant 0 : i32
      %dma_wait3A_52 = tpu.memref_slice %arg9[%dma_wait3A] : memref<5120xi32, #tpu.memory_space<vmem>> -> memref<128xi32, #tpu.memory_space<vmem>>
      %dma_wait3A_53 = arith.constant 0 : i32
      %dma_wait3A_54 = arith.constant 0 : i32
      %dma_wait3A_55 = tpu.memref_slice %arg13[%dma_wait3A_53, %dma_wait3A_54] : memref<10240x128xf32, #tpu.memory_space<vmem_shared>> -> memref<10240x128xf32, #tpu.memory_space<vmem_shared>>
      tpu.wait_indirect_dma semaphore(%arg14 : memref<!tpu.dma_semaphore, #tpu.memory_space<semaphore_mem>>) src(%arg12 : memref<128x128xf32, #tpu.memory_space<vmem>>) dst(%dma_wait3A_55 : memref<10240x128xf32, #tpu.memory_space<vmem_shared>>)
      %scan3A_56 = arith.constant 0 : i32
      scf.yield %scan3A_56 : i32
    }
    %scan3A_20 = arith.constant 4 : i32
    %mul3A_21 = arith.constant 10240 : i32
    %mul3A_22 = arith.muli %add3A, %mul3A_21 : i32
    %add3A_23 = arith.constant 5120 : i32
    %add3A_24 = arith.addi %mul3A_22, %add3A_23 : i32
    %multiple_of3A_25 = tpu.assume_multiple %add3A_24, 8 : i32
    "tpu.region"() ({
      %run_scoped3A = tpu.sem_alloc : memref<!tpu.dma_semaphore, #tpu.memory_space<semaphore_mem>>
      %dma_start3A = tpu.memref_slice %arg4[%multiple_of3A_25] : memref<327680xi32, #tpu.memory_space<hbm>> -> memref<5120xi32, #tpu.memory_space<hbm>>
      %dma_start3A_50 = tpu.memref_slice %arg4[%multiple_of3A_25] : memref<327680xi32, #tpu.memory_space<hbm>> -> memref<5120xi32, #tpu.memory_space<hbm>>
      tpu.enqueue_dma source(%dma_start3A_50 : memref<5120xi32, #tpu.memory_space<hbm>>) target(%arg9 : memref<5120xi32, #tpu.memory_space<vmem>>) target_semaphore(%run_scoped3A : memref<!tpu.dma_semaphore, #tpu.memory_space<semaphore_mem>>)
      %dma_wait3A = tpu.memref_slice %arg4[%multiple_of3A_25] : memref<327680xi32, #tpu.memory_space<hbm>> -> memref<5120xi32, #tpu.memory_space<hbm>>
      %dma_wait3A_51 = tpu.memref_slice %arg4[%multiple_of3A_25] : memref<327680xi32, #tpu.memory_space<hbm>> -> memref<5120xi32, #tpu.memory_space<hbm>>
      tpu.wait_dma2 semaphore(%run_scoped3A : memref<!tpu.dma_semaphore, #tpu.memory_space<semaphore_mem>>) src(%dma_wait3A_51 : memref<5120xi32, #tpu.memory_space<hbm>>) dst(%arg9 : memref<5120xi32, #tpu.memory_space<vmem>>)
      tpu.yield
    }) : () -> ()
    %scan3A_26 = arith.constant 0 : i32
    %scan3A_27 = arith.constant 0 : i32
    %scan3A_28 = arith.constant 40 : i32
    %scan3A_29 = arith.addi %scan3A_27, %scan3A_28 : i32
    %scan3A_30 = arith.constant 1 : i32
    %scan3A_31 = scf.for %scan3A_50 = %scan3A_27 to %scan3A_29 step %scan3A_30 iter_args(%scan3A_51 = %scan3A_26) -> (i32)  : i32 {
      %mul3A_52 = arith.constant 128 : i32
      %mul3A_53 = arith.muli %scan3A_50, %mul3A_52 : i32
      %multiple_of3A_54 = tpu.assume_multiple %mul3A_53, 8 : i32
      %dma_start3A = tpu.memref_slice %arg9[%multiple_of3A_54] : memref<5120xi32, #tpu.memory_space<vmem>> -> memref<128xi32, #tpu.memory_space<vmem>>
      %dma_start3A_55 = arith.constant 0 : i32
      %dma_start3A_56 = arith.constant 0 : i32
      %dma_start3A_57 = tpu.memref_slice %arg13[%dma_start3A_55, %dma_start3A_56] : memref<10240x128xf32, #tpu.memory_space<vmem_shared>> -> memref<10240x128xf32, #tpu.memory_space<vmem_shared>>
      tpu.enqueue_indirect_dma source(%arg12 : memref<128x128xf32, #tpu.memory_space<vmem>>) target(%dma_start3A_57 : memref<10240x128xf32, #tpu.memory_space<vmem_shared>>) offsets(%dma_start3A : memref<128xi32, #tpu.memory_space<vmem>>) semaphore(%arg14 : memref<!tpu.dma_semaphore, #tpu.memory_space<semaphore_mem>>) {add = true}
      %ge3A = arith.constant 4 : i32
      %ge3A_58 = arith.cmpi sge, %scan3A_50, %ge3A : i32
      %convert_element_type3A = arith.extui %ge3A_58 : i1 to i32
      %cond3A = arith.constant 0 : i32
      %cond3A_59 = arith.cmpi ne, %convert_element_type3A, %cond3A : i32
      scf.if %cond3A_59 {
        %dma_wait3A = tpu.memref_slice %arg9[%multiple_of3A_54] : memref<5120xi32, #tpu.memory_space<vmem>> -> memref<128xi32, #tpu.memory_space<vmem>>
        %dma_wait3A_61 = arith.constant 0 : i32
        %dma_wait3A_62 = arith.constant 0 : i32
        %dma_wait3A_63 = tpu.memref_slice %arg13[%dma_wait3A_61, %dma_wait3A_62] : memref<10240x128xf32, #tpu.memory_space<vmem_shared>> -> memref<10240x128xf32, #tpu.memory_space<vmem_shared>>
        tpu.wait_indirect_dma semaphore(%arg14 : memref<!tpu.dma_semaphore, #tpu.memory_space<semaphore_mem>>) src(%arg12 : memref<128x128xf32, #tpu.memory_space<vmem>>) dst(%dma_wait3A_63 : memref<10240x128xf32, #tpu.memory_space<vmem_shared>>)
      } else {
      }
      %scan3A_60 = arith.constant 0 : i32
      scf.yield %scan3A_60 : i32
    }
    %scan3A_32 = arith.constant 40 : i32
    %scan3A_33 = arith.constant 0 : i32
    %scan3A_34 = arith.constant 0 : i32
    %scan3A_35 = arith.constant 4 : i32
    %scan3A_36 = arith.addi %scan3A_34, %scan3A_35 : i32
    %scan3A_37 = arith.constant 1 : i32
    %scan3A_38 = scf.for %scan3A_50 = %scan3A_34 to %scan3A_36 step %scan3A_37 iter_args(%scan3A_51 = %scan3A_33) -> (i32)  : i32 {
      %dma_wait3A = arith.constant 0 : i32
      %dma_wait3A_52 = tpu.memref_slice %arg9[%dma_wait3A] : memref<5120xi32, #tpu.memory_space<vmem>> -> memref<128xi32, #tpu.memory_space<vmem>>
      %dma_wait3A_53 = arith.constant 0 : i32
      %dma_wait3A_54 = arith.constant 0 : i32
      %dma_wait3A_55 = tpu.memref_slice %arg13[%dma_wait3A_53, %dma_wait3A_54] : memref<10240x128xf32, #tpu.memory_space<vmem_shared>> -> memref<10240x128xf32, #tpu.memory_space<vmem_shared>>
      tpu.wait_indirect_dma semaphore(%arg14 : memref<!tpu.dma_semaphore, #tpu.memory_space<semaphore_mem>>) src(%arg12 : memref<128x128xf32, #tpu.memory_space<vmem>>) dst(%dma_wait3A_55 : memref<10240x128xf32, #tpu.memory_space<vmem_shared>>)
      %scan3A_56 = arith.constant 0 : i32
      scf.yield %scan3A_56 : i32
    }
    %scan3A_39 = arith.constant 4 : i32
    %mul3A_40 = arith.constant 320 : i32
    %mul3A_41 = arith.muli %add3A, %mul3A_40 : i32
    %scan3A_42 = arith.constant 0 : i32
    %scan3A_43 = arith.constant 0 : i32
    %scan3A_44 = arith.constant 4 : i32
    %scan3A_45 = arith.addi %scan3A_43, %scan3A_44 : i32
    %scan3A_46 = arith.constant 1 : i32
    %scan3A_47 = scf.for %scan3A_50 = %scan3A_43 to %scan3A_45 step %scan3A_46 iter_args(%scan3A_51 = %scan3A_42) -> (i32)  : i32 {
      %mul3A_52 = arith.constant 80 : i32
      %mul3A_53 = arith.muli %scan3A_50, %mul3A_52 : i32
      %add3A_54 = arith.addi %mul3A_41, %mul3A_53 : i32
      %multiple_of3A_55 = tpu.assume_multiple %add3A_54, 8 : i32
      "tpu.region"() ({
        %run_scoped3A = tpu.sem_alloc : memref<!tpu.dma_semaphore, #tpu.memory_space<semaphore_mem>>
        %dma_start3A_61 = tpu.memref_slice %arg2[%multiple_of3A_55] : memref<10240xi32, #tpu.memory_space<hbm>> -> memref<80xi32, #tpu.memory_space<hbm>>
        %dma_start3A_62 = tpu.memref_slice %arg2[%multiple_of3A_55] : memref<10240xi32, #tpu.memory_space<hbm>> -> memref<80xi32, #tpu.memory_space<hbm>>
        tpu.enqueue_dma source(%dma_start3A_62 : memref<80xi32, #tpu.memory_space<hbm>>) target(%arg10 : memref<80xi32, #tpu.memory_space<vmem>>) target_semaphore(%run_scoped3A : memref<!tpu.dma_semaphore, #tpu.memory_space<semaphore_mem>>)
        %dma_wait3A_63 = tpu.memref_slice %arg2[%multiple_of3A_55] : memref<10240xi32, #tpu.memory_space<hbm>> -> memref<80xi32, #tpu.memory_space<hbm>>
        %dma_wait3A_64 = tpu.memref_slice %arg2[%multiple_of3A_55] : memref<10240xi32, #tpu.memory_space<hbm>> -> memref<80xi32, #tpu.memory_space<hbm>>
        tpu.wait_dma2 semaphore(%run_scoped3A : memref<!tpu.dma_semaphore, #tpu.memory_space<semaphore_mem>>) src(%dma_wait3A_64 : memref<80xi32, #tpu.memory_space<hbm>>) dst(%arg10 : memref<80xi32, #tpu.memory_space<vmem>>)
        tpu.yield
      }) : () -> ()
      %dma_start3A = arith.constant 0 : i32
      %dma_start3A_56 = arith.constant 0 : i32
      %dma_start3A_57 = tpu.memref_slice %arg3[%dma_start3A, %dma_start3A_56] : memref<30000x128xf32, #tpu.memory_space<hbm>> -> memref<30000x128xf32, #tpu.memory_space<hbm>>
      tpu.enqueue_indirect_dma source(%dma_start3A_57 : memref<30000x128xf32, #tpu.memory_space<hbm>>) target(%arg11 : memref<80x128xf32, #tpu.memory_space<vmem>>) offsets(%arg10 : memref<80xi32, #tpu.memory_space<vmem>>) semaphore(%arg15 : memref<!tpu.dma_semaphore, #tpu.memory_space<semaphore_mem>>)
      %dma_wait3A = arith.constant 0 : i32
      %dma_wait3A_58 = arith.constant 0 : i32
      %dma_wait3A_59 = tpu.memref_slice %arg3[%dma_wait3A, %dma_wait3A_58] : memref<30000x128xf32, #tpu.memory_space<hbm>> -> memref<30000x128xf32, #tpu.memory_space<hbm>>
      tpu.wait_indirect_dma semaphore(%arg15 : memref<!tpu.dma_semaphore, #tpu.memory_space<semaphore_mem>>) src(%dma_wait3A_59 : memref<30000x128xf32, #tpu.memory_space<hbm>>) dst(%arg11 : memref<80x128xf32, #tpu.memory_space<vmem>>)
      "tpu.region"() ({
        %run_scoped3A = tpu.sem_alloc : memref<!tpu.dma_semaphore, #tpu.memory_space<semaphore_mem>>
        %dma_start3A_61 = arith.constant 0 : i32
        %dma_start3A_62 = tpu.memref_slice %arg7[%multiple_of3A_55, %dma_start3A_61] : memref<10240x128xf32, #tpu.memory_space<hbm>> -> memref<80x128xf32, #tpu.memory_space<hbm>>
        %dma_start3A_63 = arith.constant 0 : i32
        %dma_start3A_64 = tpu.memref_slice %arg7[%multiple_of3A_55, %dma_start3A_63] : memref<10240x128xf32, #tpu.memory_space<hbm>> -> memref<80x128xf32, #tpu.memory_space<hbm>>
        tpu.enqueue_dma source(%arg11 : memref<80x128xf32, #tpu.memory_space<vmem>>) target(%dma_start3A_64 : memref<80x128xf32, #tpu.memory_space<hbm>>) target_semaphore(%run_scoped3A : memref<!tpu.dma_semaphore, #tpu.memory_space<semaphore_mem>>)
        %dma_wait3A_65 = arith.constant 0 : i32
        %dma_wait3A_66 = tpu.memref_slice %arg7[%multiple_of3A_55, %dma_wait3A_65] : memref<10240x128xf32, #tpu.memory_space<hbm>> -> memref<80x128xf32, #tpu.memory_space<hbm>>
        %dma_wait3A_67 = arith.constant 0 : i32
        %dma_wait3A_68 = tpu.memref_slice %arg7[%multiple_of3A_55, %dma_wait3A_67] : memref<10240x128xf32, #tpu.memory_space<hbm>> -> memref<80x128xf32, #tpu.memory_space<hbm>>
        tpu.wait_dma2 semaphore(%run_scoped3A : memref<!tpu.dma_semaphore, #tpu.memory_space<semaphore_mem>>) src(%arg11 : memref<80x128xf32, #tpu.memory_space<vmem>>) dst(%dma_wait3A_68 : memref<80x128xf32, #tpu.memory_space<hbm>>)
        tpu.yield
      }) : () -> ()
      %scan3A_60 = arith.constant 0 : i32
      scf.yield %scan3A_60 : i32
    }
    %scan3A_48 = arith.constant 4 : i32
    %barrier3A_49 = arith.constant 0 : index
    tpu.barrier barrier_id(%barrier3A_49)
    "tpu.region"() ({
      %run_scoped3A = tpu.sem_alloc : memref<!tpu.dma_semaphore, #tpu.memory_space<semaphore_mem>>
      %dma_start3A = arith.constant 0 : i32
      %dma_start3A_50 = tpu.memref_slice %arg8[%arg0, %multiple_of3A, %dma_start3A] : memref<2x10240x128xf32, #tpu.memory_space<hbm>> -> memref<1x640x128xf32, #tpu.memory_space<hbm>>
      %dma_start3A_51 = tpu.memref_squeeze %dma_start3A_50 : memref<1x640x128xf32, #tpu.memory_space<hbm>> -> memref<640x128xf32, #tpu.memory_space<hbm>>
      %dma_start3A_52 = arith.constant 0 : i32
      %dma_start3A_53 = tpu.memref_slice %arg13[%multiple_of3A, %dma_start3A_52] : memref<10240x128xf32, #tpu.memory_space<vmem_shared>> -> memref<640x128xf32, #tpu.memory_space<vmem_shared>>
      tpu.enqueue_dma source(%dma_start3A_53 : memref<640x128xf32, #tpu.memory_space<vmem_shared>>) target(%dma_start3A_51 : memref<640x128xf32, #tpu.memory_space<hbm>>) target_semaphore(%run_scoped3A : memref<!tpu.dma_semaphore, #tpu.memory_space<semaphore_mem>>)
      %dma_wait3A = arith.constant 0 : i32
      %dma_wait3A_54 = tpu.memref_slice %arg8[%arg0, %multiple_of3A, %dma_wait3A] : memref<2x10240x128xf32, #tpu.memory_space<hbm>> -> memref<1x640x128xf32, #tpu.memory_space<hbm>>
      %dma_wait3A_55 = tpu.memref_squeeze %dma_wait3A_54 : memref<1x640x128xf32, #tpu.memory_space<hbm>> -> memref<640x128xf32, #tpu.memory_space<hbm>>
      %dma_wait3A_56 = arith.constant 0 : i32
      %dma_wait3A_57 = tpu.memref_slice %arg13[%multiple_of3A, %dma_wait3A_56] : memref<10240x128xf32, #tpu.memory_space<vmem_shared>> -> memref<640x128xf32, #tpu.memory_space<vmem_shared>>
      tpu.wait_dma2 semaphore(%run_scoped3A : memref<!tpu.dma_semaphore, #tpu.memory_space<semaphore_mem>>) src(%dma_wait3A_57 : memref<640x128xf32, #tpu.memory_space<vmem_shared>>) dst(%dma_wait3A_55 : memref<640x128xf32, #tpu.memory_space<hbm>>)
      tpu.yield
    }) : () -> ()
    return
  }
}

module attributes {stable_mosaic.version = 14 : i64} {
  func.func @_sage_body(%arg0: i32, %arg1: memref<256x128xf32, #tpu.memory_space<vmem>>, %arg2: memref<256x128xf32, #tpu.memory_space<vmem>>, %arg3: memref<256x128xf32, #tpu.memory_space<vmem>>, %arg4: memref<256x128xf32, #tpu.memory_space<vmem>>, %arg5: memref<256x128xf32, #tpu.memory_space<vmem>>, %arg6: memref<128x128xf32, #tpu.memory_space<vmem>>, %arg7: memref<128x128xf32, #tpu.memory_space<vmem>>, %arg8: memref<1x128xf32, #tpu.memory_space<vmem>>, %arg9: memref<256x128xf32, #tpu.memory_space<vmem>>) attributes {dimension_semantics = [#tpu.dimension_semantics<arbitrary>], iteration_bounds = array<i64: 40>, scalar_prefetch = 0 : i64, scratch_operands = 0 : i64, tpu.core_type = #tpu.core_type<tc>, window_params = [{transform_indices = @transform_0, window_bounds = array<i64: 256, 128>}, {transform_indices = @transform_1, window_bounds = array<i64: 256, 128>}, {transform_indices = @transform_2, window_bounds = array<i64: 256, 128>}, {transform_indices = @transform_3, window_bounds = array<i64: 256, 128>}, {transform_indices = @transform_4, window_bounds = array<i64: 256, 128>}, {pipeline_mode = #tpu.pipeline_mode<synchronous>, transform_indices = @transform_5, window_bounds = array<i64: 128, 128>}, {pipeline_mode = #tpu.pipeline_mode<synchronous>, transform_indices = @transform_6, window_bounds = array<i64: 128, 128>}, {pipeline_mode = #tpu.pipeline_mode<synchronous>, transform_indices = @transform_7, window_bounds = array<i64: 1, 128>}, {transform_indices = @transform_8, window_bounds = array<i64: 256, 128>}]} {
    %get3A = arith.constant 0 : index
    %get3A_0 = arith.constant 0 : index
    %get3A_1 = vector.load %arg4[%get3A, %get3A_0] : memref<256x128xf32, #tpu.memory_space<vmem>>, vector<256x1xf32>
    %get3A_2 = arith.constant 0 : index
    %get3A_3 = arith.constant 0 : index
    %get3A_4 = vector.load %arg5[%get3A_2, %get3A_3] : memref<256x128xf32, #tpu.memory_space<vmem>>, vector<256x1xf32>
    %add3A = arith.addf %get3A_1, %get3A_4 : vector<256x1xf32>
    %max3A = arith.constant 1.000000e+00 : f32
    %max3A_5 = vector.broadcast %max3A : f32 to vector<256x1xf32>
    %max3A_6 = arith.maximumf %add3A, %max3A_5 : vector<256x1xf32>
    %get3A_7 = arith.constant 0 : index
    %get3A_8 = arith.constant 0 : index
    %get3A_9 = vector.load %arg2[%get3A_7, %get3A_8] : memref<256x128xf32, #tpu.memory_space<vmem>>, vector<256x128xf32>
    %get3A_10 = arith.constant 0 : index
    %get3A_11 = arith.constant 0 : index
    %get3A_12 = vector.load %arg3[%get3A_10, %get3A_11] : memref<256x128xf32, #tpu.memory_space<vmem>>, vector<256x128xf32>
    %add3A_13 = arith.addf %get3A_9, %get3A_12 : vector<256x128xf32>
    %div3A = vector.broadcast %max3A_6 : vector<256x1xf32> to vector<256x128xf32>
    %div3A_14 = arith.divf %add3A_13, %div3A : vector<256x128xf32>
    %get3A_15 = arith.constant 0 : index
    %get3A_16 = arith.constant 0 : index
    %get3A_17 = vector.load %arg1[%get3A_15, %get3A_16] : memref<256x128xf32, #tpu.memory_space<vmem>>, vector<256x128xf32>
    %get3A_18 = arith.constant 0 : index
    %get3A_19 = arith.constant 0 : index
    %get3A_20 = vector.load %arg6[%get3A_18, %get3A_19] : memref<128x128xf32, #tpu.memory_space<vmem>>, vector<128x128xf32>
    %dot_general3A = arith.constant dense<0.000000e+00> : vector<256x128xf32>
    %dot_general3A_21 = tpu.matmul %get3A_17, %get3A_20, %dot_general3A {dimension_numbers = #tpu.dot_dimension_numbers<[1], [0], [0], [1], [0, 0, 1, 1], [], []>, transpose_lhs_hint = false} : vector<256x128xf32>, vector<128x128xf32>, vector<256x128xf32> -> vector<256x128xf32>
    %get3A_22 = arith.constant 0 : index
    %get3A_23 = arith.constant 0 : index
    %get3A_24 = vector.load %arg7[%get3A_22, %get3A_23] : memref<128x128xf32, #tpu.memory_space<vmem>>, vector<128x128xf32>
    %dot_general3A_25 = arith.constant dense<0.000000e+00> : vector<256x128xf32>
    %dot_general3A_26 = tpu.matmul %div3A_14, %get3A_24, %dot_general3A_25 {dimension_numbers = #tpu.dot_dimension_numbers<[1], [0], [0], [1], [0, 0, 1, 1], [], []>, transpose_lhs_hint = false} : vector<256x128xf32>, vector<128x128xf32>, vector<256x128xf32> -> vector<256x128xf32>
    %add3A_27 = arith.addf %dot_general3A_21, %dot_general3A_26 : vector<256x128xf32>
    %get3A_28 = arith.constant 0 : index
    %get3A_29 = arith.constant 0 : index
    %get3A_30 = vector.load %arg8[%get3A_28, %get3A_29] : memref<1x128xf32, #tpu.memory_space<vmem>>, vector<1x128xf32>
    %add3A_31 = vector.broadcast %get3A_30 : vector<1x128xf32> to vector<256x128xf32>
    %add3A_32 = arith.addf %add3A_27, %add3A_31 : vector<256x128xf32>
    %max3A_33 = arith.constant 0.000000e+00 : f32
    %max3A_34 = vector.broadcast %max3A_33 : f32 to vector<256x128xf32>
    %max3A_35 = arith.maximumf %add3A_32, %max3A_34 : vector<256x128xf32>
    %swap3A = arith.constant 0 : index
    %swap3A_36 = arith.constant 0 : index
    %swap3A_37 = vector.load %arg9[%swap3A, %swap3A_36] : memref<256x128xf32, #tpu.memory_space<vmem>>, vector<256x128xf32>
    tpu.vector_store %arg9[%swap3A, %swap3A_36], %max3A_35 {strides = array<i32>} : memref<256x128xf32, #tpu.memory_space<vmem>>, vector<256x128xf32>,
    return
  }
  func.func @transform_0(%arg0: i32) -> (i32, i32) {
    %c0_i32 = arith.constant 0 : i32
    %c0_i32_0 = arith.constant 0 : i32
    return %arg0, %c0_i32 : i32, i32
  }
  func.func @transform_1(%arg0: i32) -> (i32, i32) {
    %c0_i32 = arith.constant 0 : i32
    %c0_i32_0 = arith.constant 0 : i32
    return %arg0, %c0_i32 : i32, i32
  }
  func.func @transform_2(%arg0: i32) -> (i32, i32) {
    %c0_i32 = arith.constant 0 : i32
    %c0_i32_0 = arith.constant 0 : i32
    return %arg0, %c0_i32 : i32, i32
  }
  func.func @transform_3(%arg0: i32) -> (i32, i32) {
    %c0_i32 = arith.constant 0 : i32
    %c0_i32_0 = arith.constant 0 : i32
    return %arg0, %c0_i32 : i32, i32
  }
  func.func @transform_4(%arg0: i32) -> (i32, i32) {
    %c0_i32 = arith.constant 0 : i32
    %c0_i32_0 = arith.constant 0 : i32
    return %arg0, %c0_i32 : i32, i32
  }
  func.func @transform_5(%arg0: i32) -> (i32, i32) {
    %c0_i32 = arith.constant 0 : i32
    %c0_i32_0 = arith.constant 0 : i32
    %c0_i32_1 = arith.constant 0 : i32
    return %c0_i32, %c0_i32_0 : i32, i32
  }
  func.func @transform_6(%arg0: i32) -> (i32, i32) {
    %c0_i32 = arith.constant 0 : i32
    %c0_i32_0 = arith.constant 0 : i32
    %c0_i32_1 = arith.constant 0 : i32
    return %c0_i32, %c0_i32_0 : i32, i32
  }
  func.func @transform_7(%arg0: i32) -> (i32, i32) {
    %c0_i32 = arith.constant 0 : i32
    %c0_i32_0 = arith.constant 0 : i32
    %c0_i32_1 = arith.constant 0 : i32
    return %c0_i32, %c0_i32_0 : i32, i32
  }
  func.func @transform_8(%arg0: i32) -> (i32, i32) {
    %c0_i32 = arith.constant 0 : i32
    %c0_i32_0 = arith.constant 0 : i32
    return %arg0, %c0_i32 : i32, i32
  }
}

module attributes {stable_mosaic.version = 14 : i64} {
  func.func @_cls_body(%arg0: memref<10240x128xf32, #tpu.memory_space<vmem>>, %arg1: memref<10240x1xi32, #tpu.memory_space<vmem>>, %arg2: memref<128x128xf32, #tpu.memory_space<vmem>>, %arg3: memref<1x128xf32, #tpu.memory_space<vmem>>, %arg4: memref<128x128xf32, #tpu.memory_space<vmem>>, %arg5: memref<1x128xf32, #tpu.memory_space<vmem>>, %arg6: memref<64x128xf32, #tpu.memory_space<vmem>>, %arg7: memref<64x128xf32, #tpu.memory_space<vmem>>) attributes {dimension_semantics = [], scalar_prefetch = 0 : i64, scratch_operands = 1 : i64, tpu.core_type = #tpu.core_type<tc>} {
    %scan3A = arith.constant 0 : i32
    %scan3A_0 = arith.constant 64 : i32
    %scan3A_1 = arith.addi %scan3A, %scan3A_0 : i32
    %scan3A_2 = arith.constant 1 : i32
    scf.for %scan3A_30 = %scan3A to %scan3A_1 step %scan3A_2  : i32 {
      %get3A_31 = arith.constant 0 : index
      %get3A_32 = arith.constant 0 : index
      %get3A_33 = vector.load %arg1[%get3A_31, %get3A_32] : memref<10240x1xi32, #tpu.memory_space<vmem>>, vector<10240x1xi32>
      %eq3A = vector.broadcast %scan3A_30 : i32 to vector<10240x1xi32>
      %eq3A_34 = arith.cmpi eq, %get3A_33, %eq3A : vector<10240x1xi32>
      %get3A_35 = arith.constant 0 : index
      %get3A_36 = arith.constant 0 : index
      %get3A_37 = vector.load %arg0[%get3A_35, %get3A_36] : memref<10240x128xf32, #tpu.memory_space<vmem>>, vector<10240x128xf32>
      %jit3A_38 = arith.constant 0xFF800000 : f32
      %broadcast_in_dim3A_39 = vector.shape_cast %eq3A_34 : vector<10240x1xi1> to vector<10240x1xi1>
      %broadcast_in_dim3A_40 = vector.broadcast %broadcast_in_dim3A_39 : vector<10240x1xi1> to vector<10240x128xi1>
      %broadcast_in_dim3A_41 = vector.broadcast %jit3A_38 : f32 to vector<10240x128xf32>
      %select_n3A_42 = arith.select %broadcast_in_dim3A_40, %get3A_37, %broadcast_in_dim3A_41 : vector<10240x128xi1>, vector<10240x128xf32>
      %reduce_max3A = arith.constant dense<0xFF800000> : vector<128xf32>
      %reduce_max3A_43 = vector.multi_reduction <maximumf>, %select_n3A_42, %reduce_max3A [0] : vector<10240x128xf32> to vector<128xf32>
      %broadcast_in_dim3A_44 = vector.shape_cast %reduce_max3A_43 : vector<128xf32> to vector<1x128xf32>
      %swap3A_45 = arith.index_cast %scan3A_30 : i32 to index
      %swap3A_46 = arith.constant 0 : index
      %swap3A_47 = vector.load %arg7[%swap3A_45, %swap3A_46] : memref<64x128xf32, #tpu.memory_space<vmem>>, vector<1x128xf32>
      tpu.vector_store %arg7[%swap3A_45, %swap3A_46], %broadcast_in_dim3A_44 {strides = array<i32>} : memref<64x128xf32, #tpu.memory_space<vmem>>, vector<1x128xf32>,
    }
    %scan3A_3 = arith.constant 64 : i32
    %get3A = arith.constant 0 : index
    %get3A_4 = arith.constant 0 : index
    %get3A_5 = vector.load %arg7[%get3A, %get3A_4] : memref<64x128xf32, #tpu.memory_space<vmem>>, vector<64x128xf32>
    %is_finite3A = tpu.weird %get3A_5 : vector<64x128xf32> -> vector<64x128xi1>
    %is_finite3A_6 = arith.constant dense<true> : vector<64x128xi1>
    %is_finite3A_7 = arith.xori %is_finite3A, %is_finite3A_6 : vector<64x128xi1>
    %jit3A = arith.constant 0.000000e+00 : f32
    %broadcast_in_dim3A = vector.broadcast %jit3A : f32 to vector<64x128xf32>
    %select_n3A = arith.select %is_finite3A_7, %get3A_5, %broadcast_in_dim3A : vector<64x128xi1>, vector<64x128xf32>
    %get3A_8 = arith.constant 0 : index
    %get3A_9 = arith.constant 0 : index
    %get3A_10 = vector.load %arg2[%get3A_8, %get3A_9] : memref<128x128xf32, #tpu.memory_space<vmem>>, vector<128x128xf32>
    %dot_general3A = arith.constant dense<0.000000e+00> : vector<64x128xf32>
    %dot_general3A_11 = tpu.matmul %select_n3A, %get3A_10, %dot_general3A {dimension_numbers = #tpu.dot_dimension_numbers<[1], [0], [0], [1], [0, 0, 1, 1], [], []>, transpose_lhs_hint = false} : vector<64x128xf32>, vector<128x128xf32>, vector<64x128xf32> -> vector<64x128xf32>
    %get3A_12 = arith.constant 0 : index
    %get3A_13 = arith.constant 0 : index
    %get3A_14 = vector.load %arg3[%get3A_12, %get3A_13] : memref<1x128xf32, #tpu.memory_space<vmem>>, vector<1x128xf32>
    %add3A = vector.broadcast %get3A_14 : vector<1x128xf32> to vector<64x128xf32>
    %add3A_15 = arith.addf %dot_general3A_11, %add3A : vector<64x128xf32>
    %max3A = arith.constant 0.000000e+00 : f32
    %max3A_16 = vector.broadcast %max3A : f32 to vector<64x128xf32>
    %max3A_17 = arith.maximumf %add3A_15, %max3A_16 : vector<64x128xf32>
    %get3A_18 = arith.constant 0 : index
    %get3A_19 = arith.constant 0 : index
    %get3A_20 = vector.load %arg4[%get3A_18, %get3A_19] : memref<128x128xf32, #tpu.memory_space<vmem>>, vector<128x128xf32>
    %dot_general3A_21 = arith.constant dense<0.000000e+00> : vector<64x128xf32>
    %dot_general3A_22 = tpu.matmul %max3A_17, %get3A_20, %dot_general3A_21 {dimension_numbers = #tpu.dot_dimension_numbers<[1], [0], [0], [1], [0, 0, 1, 1], [], []>, transpose_lhs_hint = false} : vector<64x128xf32>, vector<128x128xf32>, vector<64x128xf32> -> vector<64x128xf32>
    %get3A_23 = arith.constant 0 : index
    %get3A_24 = arith.constant 0 : index
    %get3A_25 = vector.load %arg5[%get3A_23, %get3A_24] : memref<1x128xf32, #tpu.memory_space<vmem>>, vector<1x128xf32>
    %add3A_26 = vector.broadcast %get3A_25 : vector<1x128xf32> to vector<64x128xf32>
    %add3A_27 = arith.addf %dot_general3A_22, %add3A_26 : vector<64x128xf32>
    %swap3A = arith.constant 0 : index
    %swap3A_28 = arith.constant 0 : index
    %swap3A_29 = vector.load %arg6[%swap3A, %swap3A_28] : memref<64x128xf32, #tpu.memory_space<vmem>>, vector<64x128xf32>
    tpu.vector_store %arg6[%swap3A, %swap3A_28], %add3A_27 {strides = array<i32>} : memref<64x128xf32, #tpu.memory_space<vmem>>, vector<64x128xf32>,
    return
  }
}

</mosaic_0001>

<sc_bundles>
// kernel: kernel.11.cloned.1.call-start
scs
__scs_entry_jumppad:
0x0: {  	(pc) =	sbr.rel $0x88, $3  }
0x1: {  	(tag) =	ssettag $0x0;
	lr =	simm.s32 $0x1  }
0x2: {  	[smem:$0x3F93] =	sst lr;
	_ =	strace $0xD0000000  }
0x3: {  	_ = 	snop  }
0x4: {  	_ = 	snop  }
0x5: {  	_ = 	snop  }
0x6: {  	_ = 	snop  }
0x7: {  	_ = 	snop  }
__scs_overlays_trampoline_lowered:
0x8: {  	[smem:$0x3FA2] =	sst s0  }
0x9: {  	[smem:$0x3FA3] =	sst s1  }
0xa: {  	[smem:$0x3FA4] =	sst s2  }
0xb: {  	[smem:$0x3FA5] =	sst s3  }
0xc: {  	[smem:$0x3FA6] =	sst s4  }
0xd: {  	[smem:$0x3FA7] =	sst s5  }
0xe: {  	[smem:$0x3FA8] =	sst s6  }
0xf: {  	[smem:$0x3FA9] =	sst s7  }
0x10: {  	[smem:$0x3FAA] =	sst s8  }
0x11: {  	[smem:$0x3FAB] =	sst s9;
	s0 =	simm.s32 @!p0 $0x0  }
0x12: {  	s1 =	sld [smem:$0x3F91];
	s0 =	simm.s32 @p0 $0x1  }
0x13: {  	[smem:$0x3FAC] =	sst s0;
	s0 =	simm.s32 @!p1 $0x0  }
0x14: {  	s2 =	sld [smem:$0x3F90];
	s0 =	simm.s32 @p1 $0x1  }
0x15: {  	[smem:$0x3FAD] =	sst s0;
	s0 =	simm.s32 @!p2 $0x0  }
0x16: {  	s3 =	sld [smem:$0x3FDB];
	s0 =	simm.s32 @p2 $0x1  }
0x17: {  	s4 =	simm.s32 $0x1BF5;
	[smem:$0x3FAF] =	sst s0  }
0x18: {  	s0 =	sld [smem:$0x3F92];
	_ =	swait.ge [sflag:s4], $0x0  }
0x19: {  	s7 =	sld [smem:$0x3F93]  }
0x1a: {  	s8 =	sadd.s32 $0xFFFFE003, lr  }
0x1b: {  	s9 =	sadd.s32 $0xFFFFFEF7, lr;
	s5 =	simm.s32 $0xFFFFFFFF;
	p2 =	slt.u32 s8, $0xFFFFF086  }
0x1c: {  	p1 =	slt.u32 s9, $0xF7A;
	s5 =	simm.s32 @!p2 $0x0  }
0x1d: {  	s5 =	simm.s32 @p1 $0x1;
	p0 =	seq.s32 s7, s2  }
0x1e: {  	s7 =	smul.u32 @!p0 $0xF7A, s2;
	p2 =	seq.s32 @!p0 s5, $0x0  }
0x1f: {  	s9 =	smul.u32 $0xF7A, s1;
	s8 =	simm.s32 @!p0 $0x1BF5;
	p2 =	por !p2, p0  }
0x20: {  	[sflag:s8] =	ssyncset.s32 @!p0 $0xFFFFF086;
	s6 =	sadd.s32 @!p0 s3, s7;
	s7 =	simm.s32 @!p0 $0x108  }
0x21: {  	s3 =	sadd.s32 s3, s9;
	s6 =	sadd.s32 @!p0 $0x88, s6;
	s7 =	simm.s32 @p2 $0x1082  }
0x22: {  	[simem:s7], [sflag:s8] =	dma.local @!p0 [hbm:s6], $0xF7A  }
0x23: {  	s9 =	sor.u32 $0xD0000000, s2;
	s6 =	simm.s32 $0x108;
	_ =	swait.ge @!p0 [sflag:s8], $0x0  }
0x24: {  	s3 =	sadd.s32 $0x88, s3;
	s6 =	simm.s32 @!p1 $0x1082;
	[sflag:s4] =	ssyncset.s32 $0xFFFFF086  }
0x25: {  	[simem:s6], [sflag:s4] =	dma.local [hbm:s3], $0xF7A  }
0x26: {  	[smem:$0x3F93] =	sst s1;
	(tag) =	ssettag s2;
	_ =	strace s9  }
0x27: {  	s1 =	sld [smem:$0x3FA3]  }
0x28: {  	s2 =	sld [smem:$0x3FA4]  }
0x29: {  	s4 =	sld [smem:$0x3FA6]  }
0x2a: {  	p0 =	seq.s32 s5, $0x0;
	s5 =	sld [smem:$0x3FA7]  }
0x2b: {  	s6 =	sld [smem:$0x3FA8]  }
0x2c: {  	s7 =	sld [smem:$0x3FA9]  }
0x2d: {  	s3 =	simm.s32 $0x108;
	s8 =	sld [smem:$0x3FAA]  }
0x2e: {  	s3 =	simm.s32 @!p0 $0x1082;
	s9 =	sld [smem:$0x3FAB]  }
0x2f: {  	lr =	sadd.s32 s0, s3;
	s0 =	sld [smem:$0x3FA2]  }
0x30: {  	s3 =	sld [smem:$0x3FA5]  }
0x31: {  	[smem:$0x3FAE] =	sst s10  }
0x32: {  	s10 =	sld [smem:$0x3FAC];
	_ =	sdelay $0x3  }
0x33: {  	p0 =	seq.s32 s10, $0x1;
	s10 =	sld [smem:$0x3FAE];
	_ =	sdelay $0x3  }
0x34: {  	[smem:$0x3FAE] =	sst s10  }
0x35: {  	s10 =	sld [smem:$0x3FAD];
	_ =	sdelay $0x3  }
0x36: {  	p1 =	seq.s32 s10, $0x1;
	s10 =	sld [smem:$0x3FAE];
	_ =	sdelay $0x3  }
0x37: {  	[smem:$0x3FAE] =	sst s10  }
0x38: {  	s10 =	sld [smem:$0x3FAF]  }
0x39: {  	_ = 	snop;
	(pc) =	sbr.ind lr, $3  }
0x3a: {  	_ = 	snop  }
0x3b: {  	_ = 	snop  }
0x3c: {  	p2 =	seq.s32 s10, $0x1;
	s10 =	sld [smem:$0x3FAE]  }
0x3d: {  	_ =	shalt  }
0x3e: {  	_ =	shalt  }
0x3f: {  	_ =	shalt  }
0x40: {  	_ =	shalt  }
0x41: {  	_ =	shalt  }
0x42: {  	_ =	shalt  }
0x43: {  	_ =	shalt  }
0x44: {  	_ =	shalt  }
0x45: {  	_ =	shalt  }
0x46: {  	_ =	shalt  }
0x47: {  	_ =	shalt  }
0x48: {  	_ =	shalt  }
0x49: {  	_ =	shalt  }
0x4a: {  	_ =	shalt  }
0x4b: {  	_ =	shalt  }
0x4c: {  	_ =	shalt  }
0x4d: {  	_ =	shalt  }
0x4e: {  	_ =	shalt  }
0x4f: {  	_ =	shalt  }
0x50: {  	_ =	shalt  }
0x51: {  	_ =	shalt  }
0x52: {  	_ =	shalt  }
0x53: {  	_ =	shalt  }
0x54: {  	_ =	shalt  }
0x55: {  	_ =	shalt  }
0x56: {  	_ =	shalt  }
0x57: {  	_ =	shalt  }
0x58: {  	_ =	shalt  }
0x59: {  	_ =	shalt  }
0x5a: {  	_ =	shalt  }
0x5b: {  	_ =	shalt  }
0x5c: {  	_ =	shalt  }
0x5d: {  	_ =	shalt  }
0x5e: {  	_ =	shalt  }
0x5f: {  	_ =	shalt  }
0x60: {  	_ =	shalt  }
0x61: {  	_ =	shalt  }
0x62: {  	_ =	shalt  }
0x63: {  	_ =	shalt  }
0x64: {  	_ =	shalt  }
0x65: {  	_ =	shalt  }
0x66: {  	_ =	shalt  }
0x67: {  	_ =	shalt  }
0x68: {  	_ =	shalt  }
0x69: {  	_ =	shalt  }
0x6a: {  	_ =	shalt  }
0x6b: {  	_ =	shalt  }
0x6c: {  	_ =	shalt  }
0x6d: {  	_ =	shalt  }
0x6e: {  	_ =	shalt  }
0x6f: {  	_ =	shalt  }
0x70: {  	_ =	shalt  }
0x71: {  	_ =	shalt  }
0x72: {  	_ =	shalt  }
0x73: {  	_ =	shalt  }
0x74: {  	_ =	shalt  }
0x75: {  	_ =	shalt  }
0x76: {  	_ =	shalt  }
0x77: {  	_ =	shalt  }
0x78: {  	_ =	shalt  }
0x79: {  	_ =	shalt  }
0x7a: {  	_ =	shalt  }
0x7b: {  	_ =	shalt  }
0x7c: {  	_ =	shalt  }
0x7d: {  	_ =	shalt  }
0x7e: {  	_ =	shalt  }
0x7f: {  	_ =	shalt  }
0x80: {  	_ =	shalt  }
0x81: {  	_ =	shalt  }
0x82: {  	_ =	shalt  }
0x83: {  	_ =	shalt  }
0x84: {  	_ =	shalt  }
0x85: {  	_ =	shalt  }
0x86: {  	_ =	shalt  }
0x87: {  	_ =	shalt  }
.Lfunc_end0:
.L_simem_size_0:
called_computation.1_lowered:
.L_overlay_start_0:
0x88: {  	s2 =	sld [smem:$0x3FD9]  }
0x89: {  	s3 =	sld [smem:$0x3FFE];
	_ =	sdelay $0x1  }
0x8a: {  	s1 =	srdreg.scid  }
0x8b: {  	s0 =	sand.u32 $0x1, s1  }
0x8c: {  	s16 =	sshll.u32 s0, $0xA;
	s2 =	sadd.s32 s3, s2  }
0x8d: {  	s2 =	sadd.s32 s2, s16  }
0x8e: {  	[smem:$0x3FBA] =	sst s2  }
0x8f: {  	_ = 	snop  }
0x90: {  	(tm) =	ssettm $0x1  }
0x91: {  	s17 =	sld [smem:$0x3FFB];
	_ =	sdelay $0x3  }
0x92: {  	_ =	strace s17  }
0x93: {  	s2 =	sld [smem:$0x3FFC];
	_ =	sdelay $0x3  }
0x94: {  	_ =	strace s2  }
0x95: {  	s2 =	sld [smem:$0x3FFD];
	_ =	sdelay $0x3  }
0x96: {  	_ =	strace s2  }
0x97: {  	_ =	strace $0x8FFFFFFF  }
0x98: {  	s18 =	sld [smem:$0x3FDB];
	_ =	sdelay $0x1  }
0x99: {  	s19 =	simm.s32 $_scs_section_size  }
0x9a: {  	s4 =	simm.s32 $_size__tile_overlayer_lowered;
	s5 =	simm.s32 $_tile_overlayer_lowered  }
0x9b: {  	s22 =	simm.s32 $0x1BFF;
	s21 =	sshll.u32 s5, $0x1;
	s2 =	sadd.s32 s19, s18  }
0x9c: {  	s6 =	simm.s32 $0x0;
	s20 =	sshll.u32 s4, $0x1;
	s4 =	sadd.s32 s21, s2  }
0x9d: {  	[timem:s6], [sflag:s22] =	dma.local [hbm:s4], s20  }
0x9e: {  	_ =	swait.ge [sflag:s22], s20  }
0x9f: {  	s3 =	ssub.s32 $0x0, s20;
	[sflag:s22] =	ssyncset.done $0x0  }
0xa0: {  	[sflag:s22] =	ssyncadd.s32 s3;
	_ =	sdelay $0x1  }
0xa1: {  	s23 =	simm.s32 $0x1B8B  }
0xa2: {  	_ =	swait.ge [sflag:s23], $0x1  }
0xa3: {  	[sflag:s23] =	ssyncset.done $0x0  }
0xa4: {  	s25 =	simm.s32 $0x1B8E;
	s24 =	sld [smem:$0x3FFE];
	[sflag:s23] =	ssyncadd.s32 $0xFFFFFFFF  }
0xa5: {  	s26 =	simm.s32 $execute0_lowered;
	[smem:$0x3FD2] =	sst s25  }
0xa6: {  	s4 =	sshll.u32 s26, $0x1;
	_ =	strace $0x80000049;
	[dreg:$0x1] =	wrdreg $0xFFFFFFFF  }
0xa7: {  	s28 =	simm.s32 $_size_execute0_lowered;
	s2 =	sadd.s32 s2, s4;
	[dreg:$0x0] =	wrdreg $0x0  }
0xa8: {  	s4 =	sshll.u32 s28, $0x1;
	[dreg:$0x2] =	wrdreg s2  }
0xa9: {  	[dreg:$0x3] =	wrdreg s4  }
0xaa: {  	[dreg:$0x4] =	wrdreg $0xC0  }
0xab: {  	_ =	task [dreg:s6], $0x5FFFF  }
0xac: {  	[dreg:$0x1] =	wrdreg $0xFFFFFFFF  }
0xad: {  	[dreg:$0x0] =	wrdreg $0x60  }
0xae: {  	[dreg:$0x2] =	wrdreg s24  }
0xaf: {  	[dreg:$0x3] =	wrdreg $0x82000  }
0xb0: {  	[dreg:$0x4] =	wrdreg $0x9  }
0xb1: {  	_ =	task.clear_ibuf [dreg:s6], $0x5FFFF;
	_ =	strace $0x90000049  }
0xb2: {  	s29 =	simm.s32 $0x9;
	_ =	strace $0x8000004B  }
0xb3: {  	_ =	swait.ge [sflag:s29], $0x1  }
0xb4: {  	[sflag:s29] =	ssyncadd.s32 $0xFFFFFFFF  }
0xb5: {  	_ =	strace $0x9000004B  }
0xb6: {  	_ =	sfence  }
0xb7: {  	s30 =	sld [smem:$0x0];
	_ =	sdelay $0x2  }
0xb8: {  	s31 =	sshll.u32 s1, $0xD;
	s1 =	sshrl.u32 s1, $0x2  }
0xb9: {  	s3 =	sand.u32 $0x4000, s31;
	s1 =	sadd.s32 s1, s30  }
0xba: {  	s0 =	sor.u32 s3, s0;
	s1 =	sshll.u32 s1, $0x11  }
0xbb: {  	s0 =	sor.u32 s1, s0  }
0xbc: {  	s0 =	sadd.s32 $0x8F2B, s0  }
0xbd: {  	[sflag:s0] =	ssyncadd.remote.s32 $0x1  }
0xbe: {  	_ =	sfence.sel $0xFFFF  }
0xbf: {  	[dreg:$0x0] =	wrdreg $0xFFFFFFFF;
	(pc) =	sbr.abs _section_cstart, $3  }
0xc0: {  	[dreg:$0x1] =	wrdreg $0xFFFFFFFF  }
0xc1: {  	_ =	task.clear_ibuf [dreg:s6], $0x2FFFF;
	_ =	strace $0x9FFFFFFF  }
0xc2: {  	(tm) =	ssettm $0x7FFFFFFF  }
0xc3: {  	_ =	shalt  }
tec
execute0_lowered:
.L_overlay_start_1:
0x0: {  	(tag) =	ssettag $0x1  }
0x1: {  	s5 =	rddreg [dreg:$0x0]  }
0x2: {  	s2 =	rddreg [dreg:$0x1]  }
0x3: {  	s1 =	stileid.u32;
	s4 =	srdreg.scid;
	s3 =	simm.s32 $0x0  }
0x4: {  	s19 =	simm.s32 $0x100;
	s20 =	simm.s32 $0x80;
	s21 =	simm.s32 $0x200  }
0x5: {  	s22 =	simm.s32 $0x180;
	s6 =	smul.u32 $0x14000, s1;
	s7 =	sand.u32 $0x1, s4  }
0x6: {  	[smem:$0x7FF] =	sst s3;
	s16 =	sadd.s32 $0xEA00, s5;
	s10 =	smul.u32 $0x50000, s1  }
0x7: {  	s15 =	sadd.s32 $0x4A00, s5;
	s11 =	sshll.u32 s1, $0x1;
	s28 =	smul.u32 $0x5000, s1  }
0x8: {  	s29 =	sshll.u32 s1, $0x6;
	s4 =	smul.u32 $0x140000, s7;
	_ =	strace $0x8000004A  }
0x9: {  	s9 =	ssub.s32 $0x2, s7;
	s24 =	sor.u32 s7, s11;
	s14 =	smul.u32 $0x2800, s7  }
0xa: {  	s8 =	sshrl.u32 s6, $0x3;
	s23 =	sshrl.u32 s9, $0x1;
	s26 =	sshrl.u32 s10, $0x2  }
0xb: {  	s6 =	sadd.s32 s6, s4;
	s4 =	sadd.s32 $0x91200, s5;
	s8 =	sadd.s32 s8, s5  }
0xc: {  	s25 =	ssub.s32 s9, s23;
	s17 =	sadd.s32 s26, s2;
	s31 =	sadd.s32 s14, s28  }
0xd: {  	s23 =	simm.s32 $0x4200;
	s26 =	simm.s32 $0x0;
	s6 =	sshrl.u32 s6, $0x3  }
0xe: {  	s10 =	smax.u32 s25, $0x1;
	s14 =	sor.u32 $0x100, s31;
	s18 =	sor.u32 $0x80, s31  }
0xf: {  	s17 =	sshrl.u32 s17, $0x3;
	s12 =	sadd.s32 s6, s5;
	s6 =	smul.u32 $0x2800, s24  }
0x10: {  	s25 =	simm.s32 $0x2;
	s5 =	sadd.s32 $0x18A00, s8;
	s14 =	sshrl.u32 s14, $0x3  }
0x11: {  	s18 =	sshrl.u32 s18, $0x3;
	s24 =	simm.s32 $0x1;
	s13 =	sshrl.u32 s6, $0x3  }
0x12: {  	s9 =	sadd.s32 $0xB9200, s12;
	s6 =	sor.u32 $0x1C03, s29;
	s7 =	sadd.s32 s16, s13  }
0x13: {  	s8 =	sadd.s32 s15, s13;
	s30 =	sadd.s32 $0x4F0, s13;
	s13 =	sadd.s32 s14, s15  }
0x14: {  	s14 =	sadd.s32 s14, s16;
	s11 =	sadd.s32 s16, s30;
	s12 =	sadd.s32 s15, s30  }
0x15: {  	s15 =	sadd.s32 s18, s15;
	s16 =	sadd.s32 s18, s16;
	s18 =	simm.s32 $0x3  }
.LBB2_1:
0x16: {  	[spmem:s17], [sflag:s6] =	dma.local [hbm:s5], $0x2800  }
0x17: {  	_ =	swait.ge [sflag:s18], $0x2800  }
0x18: {  	[sflag:s18] =	ssyncset.done $0x0  }
0x19: {  	[sflag:s18] =	ssyncadd.s32 $0xFFFFD800  }
0x1a: {  	[bflag:$0x0] =	sbarrier.arrive $0xFFFF  }
0x1b: {  	[tilespmem:s3], [sflag:$0x3] =	stream.linear.gather [hbm4b:s7+s3], $0x80, $0x38;
	[tilespmem:$0x1C200] =	vst v63  }
0x1c: {  	_ =	swait.ge [sflag:s18], $0x80  }
0x1d: {  	[sflag:s18] =	ssyncset.done $0x0  }
0x1e: {  	[sflag:s18] =	ssyncadd.s32 $0xFFFFFF80  }
0x1f: {  	[tilespmem:s19], [sflag:$0x3] =	stream.linear.gather [hbm4b:s8+s3], $0x80, $0x38;
	[tilespmem:$0x1C200] =	vst v63  }
0x20: {  	_ =	swait.ge [sflag:s18], $0x80  }
0x21: {  	[sflag:s18] =	ssyncset.done $0x0  }
0x22: {  	[sflag:s18] =	ssyncadd.s32 $0xFFFFFF80  }
0x23: {  	[tilespmem:s21], [sflag:$0x1] =	stream.indirect.gather [hbm4b:s4+s20], $0x80, s3, s20, $0xb8;
	[tilespmem:$0x1C200] =	vst v63  }
0x24: {  	s28 =	sadd.s32 $0x0, s16  }
0x25: {  	[tilespmem:s20], [sflag:$0x3] =	stream.linear.gather [hbm4b:s28+s3], $0x80, $0x38;
	[tilespmem:$0x1C200] =	vst v63  }
0x26: {  	_ =	swait.ge [sflag:s18], $0x80  }
0x27: {  	[sflag:s18] =	ssyncset.done $0x0  }
0x28: {  	s28 =	sadd.s32 $0x0, s15;
	[sflag:s18] =	ssyncadd.s32 $0xFFFFFF80  }
0x29: {  	[tilespmem:s22], [sflag:$0x3] =	stream.linear.gather [hbm4b:s28+s3], $0x80, $0x38;
	[tilespmem:$0x1C200] =	vst v63  }
0x2a: {  	_ =	swait.ge [sflag:s18], $0x80  }
0x2b: {  	[sflag:s18] =	ssyncset.done $0x0  }
0x2c: {  	[sflag:s18] =	ssyncadd.s32 $0xFFFFFF80  }
0x2d: {  	[tilespmem:s23], [sflag:$0x2] =	stream.indirect.gather [hbm4b:s4+s20], $0x80, s20, s20, $0xb8;
	[tilespmem:$0x1C200] =	vst v63  }
0x2e: {  	_ =	swait.ge [sflag:s24], $0x4000  }
0x2f: {  	[sflag:s24] =	ssyncset.done $0x0  }
0x30: {  	[sflag:s24] =	ssyncadd.s32 $0xFFFFC000  }
0x31: {  	[spmem:s2] =	stream.indirect.scatter.add.f32 [tilespmem:s21], [sflag:$0x3], $0x80, s19, s20, $0xb8;
	[tilespmem:$0x1C200] =	vst v63  }
0x32: {  	_ =	swait.ge [sflag:s18], $0x4000  }
0x33: {  	[sflag:s18] =	ssyncset.done $0x0  }
0x34: {  	s28 =	sadd.s32 $0x0, s14;
	[sflag:s18] =	ssyncadd.s32 $0xFFFFC000  }
0x35: {  	[tilespmem:s3], [sflag:$0x3] =	stream.linear.gather [hbm4b:s28+s3], $0x80, $0x38;
	[tilespmem:$0x1C200] =	vst v63  }
0x36: {  	_ =	swait.ge [sflag:s18], $0x80  }
0x37: {  	[sflag:s18] =	ssyncset.done $0x0  }
0x38: {  	s28 =	sadd.s32 $0x0, s13;
	[sflag:s18] =	ssyncadd.s32 $0xFFFFFF80  }
0x39: {  	[tilespmem:s19], [sflag:$0x3] =	stream.linear.gather [hbm4b:s28+s3], $0x80, $0x38;
	[tilespmem:$0x1C200] =	vst v63  }
0x3a: {  	_ =	swait.ge [sflag:s18], $0x80  }
0x3b: {  	[sflag:s18] =	ssyncset.done $0x0  }
0x3c: {  	[sflag:s18] =	ssyncadd.s32 $0xFFFFFF80  }
0x3d: {  	[tilespmem:s21], [sflag:$0x1] =	stream.indirect.gather [hbm4b:s4+s20], $0x80, s3, s20, $0xb8;
	[tilespmem:$0x1C200] =	vst v63  }
0x3e: {  	_ =	swait.ge [sflag:s25], $0x4000  }
0x3f: {  	[sflag:s25] =	ssyncset.done $0x0  }
0x40: {  	[sflag:s25] =	ssyncadd.s32 $0xFFFFC000  }
0x41: {  	[spmem:s2] =	stream.indirect.scatter.add.f32 [tilespmem:s23], [sflag:$0x3], $0x80, s22, s20, $0xb8;
	[tilespmem:$0x1C200] =	vst v63  }
0x42: {  	_ =	swait.ge [sflag:s18], $0x4000  }
0x43: {  	s30 =	simm.s32 $0x40;
	s28 =	simm.s32 $0x20;
	[sflag:s18] =	ssyncset.done $0x0  }
.LBB2_2:
0x44: {  	s31 =	sadd.s32 s28, s16  }
0x45: {  	[sflag:s18] =	ssyncadd.s32 $0xFFFFC000;
	s0 =	smov.u32 s30;
	s29 =	sadd.s32 $0x20, s30  }
0x46: {  	[tilespmem:s20], [sflag:$0x3] =	stream.linear.gather [hbm4b:s31+s3], $0x80, $0x38;
	[tilespmem:$0x1C200] =	vst v63  }
0x47: {  	p0 =	sne.s32 s30, $0x4C0;
	_ =	swait.ge [sflag:s18], $0x80  }
0x48: {  	[sflag:s18] =	ssyncset.done $0x0  }
0x49: {  	s30 =	sadd.s32 s28, s15;
	[sflag:s18] =	ssyncadd.s32 $0xFFFFFF80  }
0x4a: {  	[tilespmem:s22], [sflag:$0x3] =	stream.linear.gather [hbm4b:s30+s3], $0x80, $0x38;
	[tilespmem:$0x1C200] =	vst v63  }
0x4b: {  	_ =	swait.ge [sflag:s18], $0x80  }
0x4c: {  	[sflag:s18] =	ssyncset.done $0x0  }
0x4d: {  	[sflag:s18] =	ssyncadd.s32 $0xFFFFFF80  }
0x4e: {  	[tilespmem:s23], [sflag:$0x2] =	stream.indirect.gather [hbm4b:s4+s20], $0x80, s20, s20, $0xb8;
	[tilespmem:$0x1C200] =	vst v63  }
0x4f: {  	_ =	swait.ge [sflag:s24], $0x4000  }
0x50: {  	[sflag:s24] =	ssyncset.done $0x0  }
0x51: {  	[sflag:s24] =	ssyncadd.s32 $0xFFFFC000  }
0x52: {  	[spmem:s2] =	stream.indirect.scatter.add.f32 [tilespmem:s21], [sflag:$0x3], $0x80, s19, s20, $0xb8;
	[tilespmem:$0x1C200] =	vst v63  }
0x53: {  	_ =	swait.ge [sflag:s18], $0x4000  }
0x54: {  	[sflag:s18] =	ssyncset.done $0x0  }
0x55: {  	s30 =	sadd.s32 s28, s14;
	[sflag:s18] =	ssyncadd.s32 $0xFFFFC000  }
0x56: {  	[tilespmem:s3], [sflag:$0x3] =	stream.linear.gather [hbm4b:s30+s3], $0x80, $0x38;
	[tilespmem:$0x1C200] =	vst v63  }
0x57: {  	_ =	swait.ge [sflag:s18], $0x80  }
0x58: {  	[sflag:s18] =	ssyncset.done $0x0  }
0x59: {  	s30 =	sadd.s32 s28, s13;
	s28 =	smov.u32 s0;
	[sflag:s18] =	ssyncadd.s32 $0xFFFFFF80  }
0x5a: {  	[tilespmem:s19], [sflag:$0x3] =	stream.linear.gather [hbm4b:s30+s3], $0x80, $0x38;
	[tilespmem:$0x1C200] =	vst v63  }
0x5b: {  	_ =	swait.ge [sflag:s18], $0x80  }
0x5c: {  	[sflag:s18] =	ssyncset.done $0x0  }
0x5d: {  	[sflag:s18] =	ssyncadd.s32 $0xFFFFFF80  }
0x5e: {  	[tilespmem:s21], [sflag:$0x1] =	stream.indirect.gather [hbm4b:s4+s20], $0x80, s3, s20, $0xb8;
	[tilespmem:$0x1C200] =	vst v63  }
0x5f: {  	_ =	swait.ge [sflag:s25], $0x4000  }
.Ltmp0:
0x60: {  	[sflag:s25] =	ssyncset.done $0x0;
	(pc) =	sbr.rel @p0 .LBB2_2-.Ltmp0, $4  }
0x61: {  	[sflag:s25] =	ssyncadd.s32 $0xFFFFC000  }
0x62: {  	[spmem:s2] =	stream.indirect.scatter.add.f32 [tilespmem:s23], [sflag:$0x3], $0x80, s22, s20, $0xb8;
	[tilespmem:$0x1C200] =	vst v63  }
0x63: {  	_ =	swait.ge [sflag:s18], $0x4000  }
0x64: {  	s30 =	smov.u32 s29;
	[sflag:s18] =	ssyncset.done $0x0  }
0x65: {  	s0 =	sadd.s32 s28, s16;
	[sflag:s18] =	ssyncadd.s32 $0xFFFFC000  }
0x66: {  	[tilespmem:s20], [sflag:$0x3] =	stream.linear.gather [hbm4b:s0+s3], $0x80, $0x38;
	[tilespmem:$0x1C200] =	vst v63  }
0x67: {  	_ =	swait.ge [sflag:s18], $0x80  }
0x68: {  	[sflag:s18] =	ssyncset.done $0x0  }
0x69: {  	s29 =	sadd.s32 s28, s15;
	[sflag:s18] =	ssyncadd.s32 $0xFFFFFF80  }
0x6a: {  	[tilespmem:s22], [sflag:$0x3] =	stream.linear.gather [hbm4b:s29+s3], $0x80, $0x38;
	[tilespmem:$0x1C200] =	vst v63  }
0x6b: {  	_ =	swait.ge [sflag:s18], $0x80  }
0x6c: {  	[sflag:s18] =	ssyncset.done $0x0  }
0x6d: {  	[sflag:s18] =	ssyncadd.s32 $0xFFFFFF80  }
0x6e: {  	[tilespmem:s23], [sflag:$0x2] =	stream.indirect.gather [hbm4b:s4+s20], $0x80, s20, s20, $0xb8;
	[tilespmem:$0x1C200] =	vst v63  }
0x6f: {  	_ =	swait.ge [sflag:s24], $0x4000  }
0x70: {  	[sflag:s24] =	ssyncset.done $0x0  }
0x71: {  	[sflag:s24] =	ssyncadd.s32 $0xFFFFC000  }
0x72: {  	[spmem:s2] =	stream.indirect.scatter.add.f32 [tilespmem:s21], [sflag:$0x3], $0x80, s19, s20, $0xb8;
	[tilespmem:$0x1C200] =	vst v63  }
0x73: {  	_ =	swait.ge [sflag:s18], $0x4000  }
0x74: {  	[sflag:s18] =	ssyncset.done $0x0  }
0x75: {  	s30 =	sadd.s32 s28, s14;
	[sflag:s18] =	ssyncadd.s32 $0xFFFFC000  }
0x76: {  	[tilespmem:s3], [sflag:$0x3] =	stream.linear.gather [hbm4b:s30+s3], $0x80, $0x38;
	[tilespmem:$0x1C200] =	vst v63  }
0x77: {  	_ =	swait.ge [sflag:s18], $0x80  }
0x78: {  	[sflag:s18] =	ssyncset.done $0x0  }
0x79: {  	s31 =	sadd.s32 s28, s13;
	[sflag:s18] =	ssyncadd.s32 $0xFFFFFF80  }
0x7a: {  	[tilespmem:s19], [sflag:$0x3] =	stream.linear.gather [hbm4b:s31+s3], $0x80, $0x38;
	[tilespmem:$0x1C200] =	vst v63  }
0x7b: {  	_ =	swait.ge [sflag:s18], $0x80  }
0x7c: {  	[sflag:s18] =	ssyncset.done $0x0  }
0x7d: {  	[sflag:s18] =	ssyncadd.s32 $0xFFFFFF80  }
0x7e: {  	[tilespmem:s21], [sflag:$0x1] =	stream.indirect.gather [hbm4b:s4+s20], $0x80, s3, s20, $0xb8;
	[tilespmem:$0x1C200] =	vst v63  }
0x7f: {  	_ =	swait.ge [sflag:s25], $0x4000  }
0x80: {  	[sflag:s25] =	ssyncset.done $0x0  }
0x81: {  	[sflag:s25] =	ssyncadd.s32 $0xFFFFC000  }
0x82: {  	[spmem:s2] =	stream.indirect.scatter.add.f32 [tilespmem:s23], [sflag:$0x3], $0x80, s22, s20, $0xb8;
	[tilespmem:$0x1C200] =	vst v63  }
0x83: {  	_ =	swait.ge [sflag:s18], $0x4000  }
0x84: {  	[sflag:s18] =	ssyncset.done $0x0  }
0x85: {  	[sflag:s18] =	ssyncadd.s32 $0xFFFFC000  }
0x86: {  	[tilespmem:s20], [sflag:$0x3] =	stream.linear.gather [hbm4b:s11+s3], $0x80, $0x38;
	[tilespmem:$0x1C200] =	vst v63  }
0x87: {  	_ =	swait.ge [sflag:s18], $0x80  }
0x88: {  	[sflag:s18] =	ssyncset.done $0x0  }
0x89: {  	[sflag:s18] =	ssyncadd.s32 $0xFFFFFF80  }
0x8a: {  	[tilespmem:s22], [sflag:$0x3] =	stream.linear.gather [hbm4b:s12+s3], $0x80, $0x38;
	[tilespmem:$0x1C200] =	vst v63  }
0x8b: {  	_ =	swait.ge [sflag:s18], $0x80  }
0x8c: {  	[sflag:s18] =	ssyncset.done $0x0  }
0x8d: {  	[sflag:s18] =	ssyncadd.s32 $0xFFFFFF80  }
0x8e: {  	[tilespmem:s23], [sflag:$0x2] =	stream.indirect.gather [hbm4b:s4+s20], $0x80, s20, s20, $0xb8;
	[tilespmem:$0x1C200] =	vst v63  }
0x8f: {  	_ =	swait.ge [sflag:s24], $0x4000  }
0x90: {  	[sflag:s24] =	ssyncset.done $0x0  }
0x91: {  	[sflag:s24] =	ssyncadd.s32 $0xFFFFC000  }
0x92: {  	[spmem:s2] =	stream.indirect.scatter.add.f32 [tilespmem:s21], [sflag:$0x3], $0x80, s19, s20, $0xb8;
	[tilespmem:$0x1C200] =	vst v63  }
0x93: {  	_ =	swait.ge [sflag:s18], $0x4000  }
0x94: {  	[sflag:s18] =	ssyncset.done $0x0  }
0x95: {  	[sflag:s18] =	ssyncadd.s32 $0xFFFFC000  }
0x96: {  	_ =	swait.ge [sflag:s25], $0x4000  }
0x97: {  	[sflag:s25] =	ssyncset.done $0x0  }
0x98: {  	[sflag:s25] =	ssyncadd.s32 $0xFFFFC000  }
0x99: {  	[spmem:s2] =	stream.indirect.scatter.add.f32 [tilespmem:s23], [sflag:$0x3], $0x80, s22, s20, $0xb8;
	[tilespmem:$0x1C200] =	vst v63  }
0x9a: {  	_ =	swait.ge [sflag:s18], $0x4000  }
0x9b: {  	s26 =	sadd.s32 $0x1, s26;
	[sflag:s18] =	ssyncset.done $0x0  }
0x9c: {  	p0 =	sne.s32 s26, s10;
	[sflag:s18] =	ssyncadd.s32 $0xFFFFC000  }
.Ltmp1:
0x9d: {  	[bflag:$0x0] =	sbarrier.arrive $0xFFFF;
	(pc) =	sbr.rel @p0 .LBB2_1-.Ltmp1, $4  }
0x9e: {  	[hbm:s9], [sflag:s6] =	dma.local [spmem:s17], $0x2800  }
0x9f: {  	_ =	swait.ge [sflag:s18], $0x2800  }
0xa0: {  	[sflag:s18] =	ssyncset.done $0x0  }
0xa1: {  	[sflag:s18] =	ssyncadd.s32 $0xFFFFD800  }
0xa2: {  	_ =	sfence.sel $0x180000  }
0xa3: {  	[bflag:$0x0] =	sbarrier.arrive $0xFFFF  }
0xa4: {  	_ =	strace $0x9000004A  }
0xa5: {  	[bflag:$0x2] =	sbarrier.arrive $0xFFFF  }
0xa6: {  	p0 =	sne.s32 s1, $0x0;
	s0 =	rddreg [dreg:$0x2]  }
0xa7: {  	s0 =	sadd.s32 @!p0 $0x100000, s0  }
0xa8: {  	[sflag:s0] =	ssyncadd.tile.s32 @!p0 $0x1;
	_ =	shalt  }
.Lfunc_end2:
_tile_overlayer_lowered:
.L_overlay_start_2:
0xa9: {  	(tag) =	ssettag $0x2  }
0xaa: {  	s0 =	rddreg [dreg:$0x0];
	s2 =	stileid.u32  }
0xab: {  	s1 =	rddreg [dreg:$0x1];
	p0 =	sne.s32 s2, $0x0  }
0xac: {  	s3 =	rddreg [dreg:$0x2];
	[bflag:$0x3] =	sbarrier.arrive $0xFFFF;
	s2 =	simm.s32 @!p0 $0x1C03  }
0xad: {  	[timem:s3], [sflag:s2] =	dma.local @!p0 [hbm:s0], s1  }
0xae: {  	s0 =	simm.s32 @!p0 $0x3  }
0xaf: {  	_ =	swait.ge @!p0 [sflag:s0], s1  }
0xb0: {  	s1 =	ssub.s32 @!p0 $0x0, s1;
	[sflag:s0] =	ssyncset.done @!p0 $0x0  }
0xb1: {  	[sflag:s0] =	ssyncadd.s32 @!p0 s1  }
0xb2: {  	[bflag:$0x3] =	sbarrier.arrive $0xFFFF  }
0xb3: {  	_ =	shalt  }

// kernel: kernel.14.cloned.1.call-start
scs
__scs_entry_jumppad:
0x0: {  	(pc) =	sbr.rel $0x88, $3  }
0x1: {  	(tag) =	ssettag $0x0;
	lr =	simm.s32 $0x1  }
0x2: {  	[smem:$0x3F93] =	sst lr;
	_ =	strace $0xD0000000  }
0x3: {  	_ = 	snop  }
0x4: {  	_ = 	snop  }
0x5: {  	_ = 	snop  }
0x6: {  	_ = 	snop  }
0x7: {  	_ = 	snop  }
__scs_overlays_trampoline_lowered:
0x8: {  	[smem:$0x3FA2] =	sst s0  }
0x9: {  	[smem:$0x3FA3] =	sst s1  }
0xa: {  	[smem:$0x3FA4] =	sst s2  }
0xb: {  	[smem:$0x3FA5] =	sst s3  }
0xc: {  	[smem:$0x3FA6] =	sst s4  }
0xd: {  	[smem:$0x3FA7] =	sst s5  }
0xe: {  	[smem:$0x3FA8] =	sst s6  }
0xf: {  	[smem:$0x3FA9] =	sst s7  }
0x10: {  	[smem:$0x3FAA] =	sst s8  }
0x11: {  	[smem:$0x3FAB] =	sst s9;
	s0 =	simm.s32 @!p0 $0x0  }
0x12: {  	s1 =	sld [smem:$0x3F91];
	s0 =	simm.s32 @p0 $0x1  }
0x13: {  	[smem:$0x3FAC] =	sst s0;
	s0 =	simm.s32 @!p1 $0x0  }
0x14: {  	s2 =	sld [smem:$0x3F90];
	s0 =	simm.s32 @p1 $0x1  }
0x15: {  	[smem:$0x3FAD] =	sst s0;
	s0 =	simm.s32 @!p2 $0x0  }
0x16: {  	s3 =	sld [smem:$0x3FDB];
	s0 =	simm.s32 @p2 $0x1  }
0x17: {  	s4 =	simm.s32 $0x1BF5;
	[smem:$0x3FAF] =	sst s0  }
0x18: {  	s0 =	sld [smem:$0x3F92];
	_ =	swait.ge [sflag:s4], $0x0  }
0x19: {  	s7 =	sld [smem:$0x3F93]  }
0x1a: {  	s8 =	sadd.s32 $0xFFFFE003, lr  }
0x1b: {  	s9 =	sadd.s32 $0xFFFFFEF7, lr;
	s5 =	simm.s32 $0xFFFFFFFF;
	p2 =	slt.u32 s8, $0xFFFFF086  }
0x1c: {  	p1 =	slt.u32 s9, $0xF7A;
	s5 =	simm.s32 @!p2 $0x0  }
0x1d: {  	s5 =	simm.s32 @p1 $0x1;
	p0 =	seq.s32 s7, s2  }
0x1e: {  	s7 =	smul.u32 @!p0 $0xF7A, s2;
	p2 =	seq.s32 @!p0 s5, $0x0  }
0x1f: {  	s9 =	smul.u32 $0xF7A, s1;
	s8 =	simm.s32 @!p0 $0x1BF5;
	p2 =	por !p2, p0  }
0x20: {  	[sflag:s8] =	ssyncset.s32 @!p0 $0xFFFFF086;
	s6 =	sadd.s32 @!p0 s3, s7;
	s7 =	simm.s32 @!p0 $0x108  }
0x21: {  	s3 =	sadd.s32 s3, s9;
	s6 =	sadd.s32 @!p0 $0x88, s6;
	s7 =	simm.s32 @p2 $0x1082  }
0x22: {  	[simem:s7], [sflag:s8] =	dma.local @!p0 [hbm:s6], $0xF7A  }
0x23: {  	s9 =	sor.u32 $0xD0000000, s2;
	s6 =	simm.s32 $0x108;
	_ =	swait.ge @!p0 [sflag:s8], $0x0  }
0x24: {  	s3 =	sadd.s32 $0x88, s3;
	s6 =	simm.s32 @!p1 $0x1082;
	[sflag:s4] =	ssyncset.s32 $0xFFFFF086  }
0x25: {  	[simem:s6], [sflag:s4] =	dma.local [hbm:s3], $0xF7A  }
0x26: {  	[smem:$0x3F93] =	sst s1;
	(tag) =	ssettag s2;
	_ =	strace s9  }
0x27: {  	s1 =	sld [smem:$0x3FA3]  }
0x28: {  	s2 =	sld [smem:$0x3FA4]  }
0x29: {  	s4 =	sld [smem:$0x3FA6]  }
0x2a: {  	p0 =	seq.s32 s5, $0x0;
	s5 =	sld [smem:$0x3FA7]  }
0x2b: {  	s6 =	sld [smem:$0x3FA8]  }
0x2c: {  	s7 =	sld [smem:$0x3FA9]  }
0x2d: {  	s3 =	simm.s32 $0x108;
	s8 =	sld [smem:$0x3FAA]  }
0x2e: {  	s3 =	simm.s32 @!p0 $0x1082;
	s9 =	sld [smem:$0x3FAB]  }
0x2f: {  	lr =	sadd.s32 s0, s3;
	s0 =	sld [smem:$0x3FA2]  }
0x30: {  	s3 =	sld [smem:$0x3FA5]  }
0x31: {  	[smem:$0x3FAE] =	sst s10  }
0x32: {  	s10 =	sld [smem:$0x3FAC];
	_ =	sdelay $0x3  }
0x33: {  	p0 =	seq.s32 s10, $0x1;
	s10 =	sld [smem:$0x3FAE];
	_ =	sdelay $0x3  }
0x34: {  	[smem:$0x3FAE] =	sst s10  }
0x35: {  	s10 =	sld [smem:$0x3FAD];
	_ =	sdelay $0x3  }
0x36: {  	p1 =	seq.s32 s10, $0x1;
	s10 =	sld [smem:$0x3FAE];
	_ =	sdelay $0x3  }
0x37: {  	[smem:$0x3FAE] =	sst s10  }
0x38: {  	s10 =	sld [smem:$0x3FAF]  }
0x39: {  	_ = 	snop;
	(pc) =	sbr.ind lr, $3  }
0x3a: {  	_ = 	snop  }
0x3b: {  	_ = 	snop  }
0x3c: {  	p2 =	seq.s32 s10, $0x1;
	s10 =	sld [smem:$0x3FAE]  }
0x3d: {  	_ =	shalt  }
0x3e: {  	_ =	shalt  }
0x3f: {  	_ =	shalt  }
0x40: {  	_ =	shalt  }
0x41: {  	_ =	shalt  }
0x42: {  	_ =	shalt  }
0x43: {  	_ =	shalt  }
0x44: {  	_ =	shalt  }
0x45: {  	_ =	shalt  }
0x46: {  	_ =	shalt  }
0x47: {  	_ =	shalt  }
0x48: {  	_ =	shalt  }
0x49: {  	_ =	shalt  }
0x4a: {  	_ =	shalt  }
0x4b: {  	_ =	shalt  }
0x4c: {  	_ =	shalt  }
0x4d: {  	_ =	shalt  }
0x4e: {  	_ =	shalt  }
0x4f: {  	_ =	shalt  }
0x50: {  	_ =	shalt  }
0x51: {  	_ =	shalt  }
0x52: {  	_ =	shalt  }
0x53: {  	_ =	shalt  }
0x54: {  	_ =	shalt  }
0x55: {  	_ =	shalt  }
0x56: {  	_ =	shalt  }
0x57: {  	_ =	shalt  }
0x58: {  	_ =	shalt  }
0x59: {  	_ =	shalt  }
0x5a: {  	_ =	shalt  }
0x5b: {  	_ =	shalt  }
0x5c: {  	_ =	shalt  }
0x5d: {  	_ =	shalt  }
0x5e: {  	_ =	shalt  }
0x5f: {  	_ =	shalt  }
0x60: {  	_ =	shalt  }
0x61: {  	_ =	shalt  }
0x62: {  	_ =	shalt  }
0x63: {  	_ =	shalt  }
0x64: {  	_ =	shalt  }
0x65: {  	_ =	shalt  }
0x66: {  	_ =	shalt  }
0x67: {  	_ =	shalt  }
0x68: {  	_ =	shalt  }
0x69: {  	_ =	shalt  }
0x6a: {  	_ =	shalt  }
0x6b: {  	_ =	shalt  }
0x6c: {  	_ =	shalt  }
0x6d: {  	_ =	shalt  }
0x6e: {  	_ =	shalt  }
0x6f: {  	_ =	shalt  }
0x70: {  	_ =	shalt  }
0x71: {  	_ =	shalt  }
0x72: {  	_ =	shalt  }
0x73: {  	_ =	shalt  }
0x74: {  	_ =	shalt  }
0x75: {  	_ =	shalt  }
0x76: {  	_ =	shalt  }
0x77: {  	_ =	shalt  }
0x78: {  	_ =	shalt  }
0x79: {  	_ =	shalt  }
0x7a: {  	_ =	shalt  }
0x7b: {  	_ =	shalt  }
0x7c: {  	_ =	shalt  }
0x7d: {  	_ =	shalt  }
0x7e: {  	_ =	shalt  }
0x7f: {  	_ =	shalt  }
0x80: {  	_ =	shalt  }
0x81: {  	_ =	shalt  }
0x82: {  	_ =	shalt  }
0x83: {  	_ =	shalt  }
0x84: {  	_ =	shalt  }
0x85: {  	_ =	shalt  }
0x86: {  	_ =	shalt  }
0x87: {  	_ =	shalt  }
.Lfunc_end0:
.L_simem_size_0:
called_computation.2_lowered:
.L_overlay_start_0:
0x88: {  	s2 =	sld [smem:$0x3FD9]  }
0x89: {  	s3 =	sld [smem:$0x3FFE];
	_ =	sdelay $0x1  }
0x8a: {  	s1 =	srdreg.scid  }
0x8b: {  	s0 =	sand.u32 $0x1, s1  }
0x8c: {  	s16 =	sshll.u32 s0, $0xA;
	s2 =	sadd.s32 s3, s2  }
0x8d: {  	s2 =	sadd.s32 s2, s16  }
0x8e: {  	[smem:$0x3FBA] =	sst s2  }
0x8f: {  	_ = 	snop  }
0x90: {  	(tm) =	ssettm $0x1  }
0x91: {  	s17 =	sld [smem:$0x3FFB];
	_ =	sdelay $0x3  }
0x92: {  	_ =	strace s17  }
0x93: {  	s2 =	sld [smem:$0x3FFC];
	_ =	sdelay $0x3  }
0x94: {  	_ =	strace s2  }
0x95: {  	s2 =	sld [smem:$0x3FFD];
	_ =	sdelay $0x3  }
0x96: {  	_ =	strace s2  }
0x97: {  	_ =	strace $0x8FFFFFFF  }
0x98: {  	s18 =	sld [smem:$0x3FDB];
	_ =	sdelay $0x1  }
0x99: {  	s19 =	simm.s32 $_scs_section_size  }
0x9a: {  	s4 =	simm.s32 $_size__tile_overlayer_lowered;
	s5 =	simm.s32 $_tile_overlayer_lowered  }
0x9b: {  	s22 =	simm.s32 $0x1BFF;
	s21 =	sshll.u32 s5, $0x1;
	s2 =	sadd.s32 s19, s18  }
0x9c: {  	s6 =	simm.s32 $0x0;
	s20 =	sshll.u32 s4, $0x1;
	s4 =	sadd.s32 s21, s2  }
0x9d: {  	[timem:s6], [sflag:s22] =	dma.local [hbm:s4], s20  }
0x9e: {  	_ =	swait.ge [sflag:s22], s20  }
0x9f: {  	s3 =	ssub.s32 $0x0, s20;
	[sflag:s22] =	ssyncset.done $0x0  }
0xa0: {  	[sflag:s22] =	ssyncadd.s32 s3;
	_ =	sdelay $0x1  }
0xa1: {  	s23 =	simm.s32 $0x1B8B  }
0xa2: {  	_ =	swait.ge [sflag:s23], $0x1  }
0xa3: {  	[sflag:s23] =	ssyncset.done $0x0  }
0xa4: {  	s25 =	simm.s32 $0x1B8E;
	s24 =	sld [smem:$0x3FFE];
	[sflag:s23] =	ssyncadd.s32 $0xFFFFFFFF  }
0xa5: {  	s26 =	simm.s32 $execute0_lowered;
	[smem:$0x3FD2] =	sst s25  }
0xa6: {  	s4 =	sshll.u32 s26, $0x1;
	_ =	strace $0x8000004C;
	[dreg:$0x1] =	wrdreg $0xFFFFFFFF  }
0xa7: {  	s28 =	simm.s32 $_size_execute0_lowered;
	s2 =	sadd.s32 s2, s4;
	[dreg:$0x0] =	wrdreg $0x0  }
0xa8: {  	s4 =	sshll.u32 s28, $0x1;
	[dreg:$0x2] =	wrdreg s2  }
0xa9: {  	[dreg:$0x3] =	wrdreg s4  }
0xaa: {  	[dreg:$0x4] =	wrdreg $0xC0  }
0xab: {  	_ =	task [dreg:s6], $0x5FFFF  }
0xac: {  	[dreg:$0x1] =	wrdreg $0xFFFFFFFF  }
0xad: {  	[dreg:$0x0] =	wrdreg $0x60  }
0xae: {  	[dreg:$0x2] =	wrdreg s24  }
0xaf: {  	[dreg:$0x3] =	wrdreg $0x82000  }
0xb0: {  	[dreg:$0x4] =	wrdreg $0x9  }
0xb1: {  	_ =	task.clear_ibuf [dreg:s6], $0x5FFFF;
	_ =	strace $0x9000004C  }
0xb2: {  	s29 =	simm.s32 $0x9;
	_ =	strace $0x8000004E  }
0xb3: {  	_ =	swait.ge [sflag:s29], $0x1  }
0xb4: {  	[sflag:s29] =	ssyncadd.s32 $0xFFFFFFFF  }
0xb5: {  	_ =	strace $0x9000004E  }
0xb6: {  	_ =	sfence  }
0xb7: {  	s30 =	sld [smem:$0x0];
	_ =	sdelay $0x2  }
0xb8: {  	s31 =	sshll.u32 s1, $0xD;
	s1 =	sshrl.u32 s1, $0x2  }
0xb9: {  	s3 =	sand.u32 $0x4000, s31;
	s1 =	sadd.s32 s1, s30  }
0xba: {  	s0 =	sor.u32 s3, s0;
	s1 =	sshll.u32 s1, $0x11  }
0xbb: {  	s0 =	sor.u32 s1, s0  }
0xbc: {  	s0 =	sadd.s32 $0x8F2B, s0  }
0xbd: {  	[sflag:s0] =	ssyncadd.remote.s32 $0x1  }
0xbe: {  	_ =	sfence.sel $0xFFFF  }
0xbf: {  	[dreg:$0x0] =	wrdreg $0xFFFFFFFF;
	(pc) =	sbr.abs _section_cstart, $3  }
0xc0: {  	[dreg:$0x1] =	wrdreg $0xFFFFFFFF  }
0xc1: {  	_ =	task.clear_ibuf [dreg:s6], $0x2FFFF;
	_ =	strace $0x9FFFFFFF  }
0xc2: {  	(tm) =	ssettm $0x7FFFFFFF  }
0xc3: {  	_ =	shalt  }
tec
execute0_lowered:
.L_overlay_start_1:
0x0: {  	(tag) =	ssettag $0x1  }
0x1: {  	s5 =	rddreg [dreg:$0x0]  }
0x2: {  	s2 =	rddreg [dreg:$0x1]  }
0x3: {  	s1 =	stileid.u32;
	s4 =	srdreg.scid;
	s3 =	simm.s32 $0x0  }
0x4: {  	s19 =	simm.s32 $0x100;
	s20 =	simm.s32 $0x80;
	s21 =	simm.s32 $0x200  }
0x5: {  	s22 =	simm.s32 $0x180;
	s6 =	smul.u32 $0x14000, s1;
	s7 =	sand.u32 $0x1, s4  }
0x6: {  	[smem:$0x7FF] =	sst s3;
	s16 =	sadd.s32 $0xEA00, s5;
	s10 =	smul.u32 $0x50000, s1  }
0x7: {  	s15 =	sadd.s32 $0x4A00, s5;
	s11 =	sshll.u32 s1, $0x1;
	s28 =	smul.u32 $0x5000, s1  }
0x8: {  	s29 =	sshll.u32 s1, $0x6;
	s4 =	smul.u32 $0x140000, s7;
	_ =	strace $0x8000004D  }
0x9: {  	s9 =	ssub.s32 $0x2, s7;
	s24 =	sor.u32 s7, s11;
	s14 =	smul.u32 $0x2800, s7  }
0xa: {  	s8 =	sshrl.u32 s6, $0x3;
	s23 =	sshrl.u32 s9, $0x1;
	s26 =	sshrl.u32 s10, $0x2  }
0xb: {  	s6 =	sadd.s32 s6, s4;
	s4 =	sadd.s32 $0x90A00, s5;
	s8 =	sadd.s32 s8, s5  }
0xc: {  	s25 =	ssub.s32 s9, s23;
	s17 =	sadd.s32 s26, s2;
	s31 =	sadd.s32 s14, s28  }
0xd: {  	s23 =	simm.s32 $0x4200;
	s26 =	simm.s32 $0x0;
	s6 =	sshrl.u32 s6, $0x3  }
0xe: {  	s10 =	smax.u32 s25, $0x1;
	s14 =	sor.u32 $0x100, s31;
	s18 =	sor.u32 $0x80, s31  }
0xf: {  	s17 =	sshrl.u32 s17, $0x3;
	s12 =	sadd.s32 s6, s5;
	s6 =	smul.u32 $0x2800, s24  }
0x10: {  	s25 =	simm.s32 $0x2;
	s5 =	sadd.s32 $0x18A00, s8;
	s14 =	sshrl.u32 s14, $0x3  }
0x11: {  	s18 =	sshrl.u32 s18, $0x3;
	s24 =	simm.s32 $0x1;
	s13 =	sshrl.u32 s6, $0x3  }
0x12: {  	s9 =	sadd.s32 $0xB8A00, s12;
	s6 =	sor.u32 $0x1C03, s29;
	s7 =	sadd.s32 s16, s13  }
0x13: {  	s8 =	sadd.s32 s15, s13;
	s30 =	sadd.s32 $0x4F0, s13;
	s13 =	sadd.s32 s14, s15  }
0x14: {  	s14 =	sadd.s32 s14, s16;
	s11 =	sadd.s32 s16, s30;
	s12 =	sadd.s32 s15, s30  }
0x15: {  	s15 =	sadd.s32 s18, s15;
	s16 =	sadd.s32 s18, s16;
	s18 =	simm.s32 $0x3  }
.LBB2_1:
0x16: {  	[spmem:s17], [sflag:s6] =	dma.local [hbm:s5], $0x2800  }
0x17: {  	_ =	swait.ge [sflag:s18], $0x2800  }
0x18: {  	[sflag:s18] =	ssyncset.done $0x0  }
0x19: {  	[sflag:s18] =	ssyncadd.s32 $0xFFFFD800  }
0x1a: {  	[bflag:$0x0] =	sbarrier.arrive $0xFFFF  }
0x1b: {  	[tilespmem:s3], [sflag:$0x3] =	stream.linear.gather [hbm4b:s7+s3], $0x80, $0x38;
	[tilespmem:$0x1C200] =	vst v63  }
0x1c: {  	_ =	swait.ge [sflag:s18], $0x80  }
0x1d: {  	[sflag:s18] =	ssyncset.done $0x0  }
0x1e: {  	[sflag:s18] =	ssyncadd.s32 $0xFFFFFF80  }
0x1f: {  	[tilespmem:s19], [sflag:$0x3] =	stream.linear.gather [hbm4b:s8+s3], $0x80, $0x38;
	[tilespmem:$0x1C200] =	vst v63  }
0x20: {  	_ =	swait.ge [sflag:s18], $0x80  }
0x21: {  	[sflag:s18] =	ssyncset.done $0x0  }
0x22: {  	[sflag:s18] =	ssyncadd.s32 $0xFFFFFF80  }
0x23: {  	[tilespmem:s21], [sflag:$0x1] =	stream.indirect.gather [hbm4b:s4+s20], $0x80, s3, s20, $0xb8;
	[tilespmem:$0x1C200] =	vst v63  }
0x24: {  	s28 =	sadd.s32 $0x0, s16  }
0x25: {  	[tilespmem:s20], [sflag:$0x3] =	stream.linear.gather [hbm4b:s28+s3], $0x80, $0x38;
	[tilespmem:$0x1C200] =	vst v63  }
0x26: {  	_ =	swait.ge [sflag:s18], $0x80  }
0x27: {  	[sflag:s18] =	ssyncset.done $0x0  }
0x28: {  	s28 =	sadd.s32 $0x0, s15;
	[sflag:s18] =	ssyncadd.s32 $0xFFFFFF80  }
0x29: {  	[tilespmem:s22], [sflag:$0x3] =	stream.linear.gather [hbm4b:s28+s3], $0x80, $0x38;
	[tilespmem:$0x1C200] =	vst v63  }
0x2a: {  	_ =	swait.ge [sflag:s18], $0x80  }
0x2b: {  	[sflag:s18] =	ssyncset.done $0x0  }
0x2c: {  	[sflag:s18] =	ssyncadd.s32 $0xFFFFFF80  }
0x2d: {  	[tilespmem:s23], [sflag:$0x2] =	stream.indirect.gather [hbm4b:s4+s20], $0x80, s20, s20, $0xb8;
	[tilespmem:$0x1C200] =	vst v63  }
0x2e: {  	_ =	swait.ge [sflag:s24], $0x4000  }
0x2f: {  	[sflag:s24] =	ssyncset.done $0x0  }
0x30: {  	[sflag:s24] =	ssyncadd.s32 $0xFFFFC000  }
0x31: {  	[spmem:s2] =	stream.indirect.scatter.add.f32 [tilespmem:s21], [sflag:$0x3], $0x80, s19, s20, $0xb8;
	[tilespmem:$0x1C200] =	vst v63  }
0x32: {  	_ =	swait.ge [sflag:s18], $0x4000  }
0x33: {  	[sflag:s18] =	ssyncset.done $0x0  }
0x34: {  	s28 =	sadd.s32 $0x0, s14;
	[sflag:s18] =	ssyncadd.s32 $0xFFFFC000  }
0x35: {  	[tilespmem:s3], [sflag:$0x3] =	stream.linear.gather [hbm4b:s28+s3], $0x80, $0x38;
	[tilespmem:$0x1C200] =	vst v63  }
0x36: {  	_ =	swait.ge [sflag:s18], $0x80  }
0x37: {  	[sflag:s18] =	ssyncset.done $0x0  }
0x38: {  	s28 =	sadd.s32 $0x0, s13;
	[sflag:s18] =	ssyncadd.s32 $0xFFFFFF80  }
0x39: {  	[tilespmem:s19], [sflag:$0x3] =	stream.linear.gather [hbm4b:s28+s3], $0x80, $0x38;
	[tilespmem:$0x1C200] =	vst v63  }
0x3a: {  	_ =	swait.ge [sflag:s18], $0x80  }
0x3b: {  	[sflag:s18] =	ssyncset.done $0x0  }
0x3c: {  	[sflag:s18] =	ssyncadd.s32 $0xFFFFFF80  }
0x3d: {  	[tilespmem:s21], [sflag:$0x1] =	stream.indirect.gather [hbm4b:s4+s20], $0x80, s3, s20, $0xb8;
	[tilespmem:$0x1C200] =	vst v63  }
0x3e: {  	_ =	swait.ge [sflag:s25], $0x4000  }
0x3f: {  	[sflag:s25] =	ssyncset.done $0x0  }
0x40: {  	[sflag:s25] =	ssyncadd.s32 $0xFFFFC000  }
0x41: {  	[spmem:s2] =	stream.indirect.scatter.add.f32 [tilespmem:s23], [sflag:$0x3], $0x80, s22, s20, $0xb8;
	[tilespmem:$0x1C200] =	vst v63  }
0x42: {  	_ =	swait.ge [sflag:s18], $0x4000  }
0x43: {  	s30 =	simm.s32 $0x40;
	s28 =	simm.s32 $0x20;
	[sflag:s18] =	ssyncset.done $0x0  }
.LBB2_2:
0x44: {  	s31 =	sadd.s32 s28, s16  }
0x45: {  	[sflag:s18] =	ssyncadd.s32 $0xFFFFC000;
	s0 =	smov.u32 s30;
	s29 =	sadd.s32 $0x20, s30  }
0x46: {  	[tilespmem:s20], [sflag:$0x3] =	stream.linear.gather [hbm4b:s31+s3], $0x80, $0x38;
	[tilespmem:$0x1C200] =	vst v63  }
0x47: {  	p0 =	sne.s32 s30, $0x4C0;
	_ =	swait.ge [sflag:s18], $0x80  }
0x48: {  	[sflag:s18] =	ssyncset.done $0x0  }
0x49: {  	s30 =	sadd.s32 s28, s15;
	[sflag:s18] =	ssyncadd.s32 $0xFFFFFF80  }
0x4a: {  	[tilespmem:s22], [sflag:$0x3] =	stream.linear.gather [hbm4b:s30+s3], $0x80, $0x38;
	[tilespmem:$0x1C200] =	vst v63  }
0x4b: {  	_ =	swait.ge [sflag:s18], $0x80  }
0x4c: {  	[sflag:s18] =	ssyncset.done $0x0  }
0x4d: {  	[sflag:s18] =	ssyncadd.s32 $0xFFFFFF80  }
0x4e: {  	[tilespmem:s23], [sflag:$0x2] =	stream.indirect.gather [hbm4b:s4+s20], $0x80, s20, s20, $0xb8;
	[tilespmem:$0x1C200] =	vst v63  }
0x4f: {  	_ =	swait.ge [sflag:s24], $0x4000  }
0x50: {  	[sflag:s24] =	ssyncset.done $0x0  }
0x51: {  	[sflag:s24] =	ssyncadd.s32 $0xFFFFC000  }
0x52: {  	[spmem:s2] =	stream.indirect.scatter.add.f32 [tilespmem:s21], [sflag:$0x3], $0x80, s19, s20, $0xb8;
	[tilespmem:$0x1C200] =	vst v63  }
0x53: {  	_ =	swait.ge [sflag:s18], $0x4000  }
0x54: {  	[sflag:s18] =	ssyncset.done $0x0  }
0x55: {  	s30 =	sadd.s32 s28, s14;
	[sflag:s18] =	ssyncadd.s32 $0xFFFFC000  }
0x56: {  	[tilespmem:s3], [sflag:$0x3] =	stream.linear.gather [hbm4b:s30+s3], $0x80, $0x38;
	[tilespmem:$0x1C200] =	vst v63  }
0x57: {  	_ =	swait.ge [sflag:s18], $0x80  }
0x58: {  	[sflag:s18] =	ssyncset.done $0x0  }
0x59: {  	s30 =	sadd.s32 s28, s13;
	s28 =	smov.u32 s0;
	[sflag:s18] =	ssyncadd.s32 $0xFFFFFF80  }
0x5a: {  	[tilespmem:s19], [sflag:$0x3] =	stream.linear.gather [hbm4b:s30+s3], $0x80, $0x38;
	[tilespmem:$0x1C200] =	vst v63  }
0x5b: {  	_ =	swait.ge [sflag:s18], $0x80  }
0x5c: {  	[sflag:s18] =	ssyncset.done $0x0  }
0x5d: {  	[sflag:s18] =	ssyncadd.s32 $0xFFFFFF80  }
0x5e: {  	[tilespmem:s21], [sflag:$0x1] =	stream.indirect.gather [hbm4b:s4+s20], $0x80, s3, s20, $0xb8;
	[tilespmem:$0x1C200] =	vst v63  }
0x5f: {  	_ =	swait.ge [sflag:s25], $0x4000  }
.Ltmp0:
0x60: {  	[sflag:s25] =	ssyncset.done $0x0;
	(pc) =	sbr.rel @p0 .LBB2_2-.Ltmp0, $4  }
0x61: {  	[sflag:s25] =	ssyncadd.s32 $0xFFFFC000  }
0x62: {  	[spmem:s2] =	stream.indirect.scatter.add.f32 [tilespmem:s23], [sflag:$0x3], $0x80, s22, s20, $0xb8;
	[tilespmem:$0x1C200] =	vst v63  }
0x63: {  	_ =	swait.ge [sflag:s18], $0x4000  }
0x64: {  	s30 =	smov.u32 s29;
	[sflag:s18] =	ssyncset.done $0x0  }
0x65: {  	s0 =	sadd.s32 s28, s16;
	[sflag:s18] =	ssyncadd.s32 $0xFFFFC000  }
0x66: {  	[tilespmem:s20], [sflag:$0x3] =	stream.linear.gather [hbm4b:s0+s3], $0x80, $0x38;
	[tilespmem:$0x1C200] =	vst v63  }
0x67: {  	_ =	swait.ge [sflag:s18], $0x80  }
0x68: {  	[sflag:s18] =	ssyncset.done $0x0  }
0x69: {  	s29 =	sadd.s32 s28, s15;
	[sflag:s18] =	ssyncadd.s32 $0xFFFFFF80  }
0x6a: {  	[tilespmem:s22], [sflag:$0x3] =	stream.linear.gather [hbm4b:s29+s3], $0x80, $0x38;
	[tilespmem:$0x1C200] =	vst v63  }
0x6b: {  	_ =	swait.ge [sflag:s18], $0x80  }
0x6c: {  	[sflag:s18] =	ssyncset.done $0x0  }
0x6d: {  	[sflag:s18] =	ssyncadd.s32 $0xFFFFFF80  }
0x6e: {  	[tilespmem:s23], [sflag:$0x2] =	stream.indirect.gather [hbm4b:s4+s20], $0x80, s20, s20, $0xb8;
	[tilespmem:$0x1C200] =	vst v63  }
0x6f: {  	_ =	swait.ge [sflag:s24], $0x4000  }
0x70: {  	[sflag:s24] =	ssyncset.done $0x0  }
0x71: {  	[sflag:s24] =	ssyncadd.s32 $0xFFFFC000  }
0x72: {  	[spmem:s2] =	stream.indirect.scatter.add.f32 [tilespmem:s21], [sflag:$0x3], $0x80, s19, s20, $0xb8;
	[tilespmem:$0x1C200] =	vst v63  }
0x73: {  	_ =	swait.ge [sflag:s18], $0x4000  }
0x74: {  	[sflag:s18] =	ssyncset.done $0x0  }
0x75: {  	s30 =	sadd.s32 s28, s14;
	[sflag:s18] =	ssyncadd.s32 $0xFFFFC000  }
0x76: {  	[tilespmem:s3], [sflag:$0x3] =	stream.linear.gather [hbm4b:s30+s3], $0x80, $0x38;
	[tilespmem:$0x1C200] =	vst v63  }
0x77: {  	_ =	swait.ge [sflag:s18], $0x80  }
0x78: {  	[sflag:s18] =	ssyncset.done $0x0  }
0x79: {  	s31 =	sadd.s32 s28, s13;
	[sflag:s18] =	ssyncadd.s32 $0xFFFFFF80  }
0x7a: {  	[tilespmem:s19], [sflag:$0x3] =	stream.linear.gather [hbm4b:s31+s3], $0x80, $0x38;
	[tilespmem:$0x1C200] =	vst v63  }
0x7b: {  	_ =	swait.ge [sflag:s18], $0x80  }
0x7c: {  	[sflag:s18] =	ssyncset.done $0x0  }
0x7d: {  	[sflag:s18] =	ssyncadd.s32 $0xFFFFFF80  }
0x7e: {  	[tilespmem:s21], [sflag:$0x1] =	stream.indirect.gather [hbm4b:s4+s20], $0x80, s3, s20, $0xb8;
	[tilespmem:$0x1C200] =	vst v63  }
0x7f: {  	_ =	swait.ge [sflag:s25], $0x4000  }
0x80: {  	[sflag:s25] =	ssyncset.done $0x0  }
0x81: {  	[sflag:s25] =	ssyncadd.s32 $0xFFFFC000  }
0x82: {  	[spmem:s2] =	stream.indirect.scatter.add.f32 [tilespmem:s23], [sflag:$0x3], $0x80, s22, s20, $0xb8;
	[tilespmem:$0x1C200] =	vst v63  }
0x83: {  	_ =	swait.ge [sflag:s18], $0x4000  }
0x84: {  	[sflag:s18] =	ssyncset.done $0x0  }
0x85: {  	[sflag:s18] =	ssyncadd.s32 $0xFFFFC000  }
0x86: {  	[tilespmem:s20], [sflag:$0x3] =	stream.linear.gather [hbm4b:s11+s3], $0x80, $0x38;
	[tilespmem:$0x1C200] =	vst v63  }
0x87: {  	_ =	swait.ge [sflag:s18], $0x80  }
0x88: {  	[sflag:s18] =	ssyncset.done $0x0  }
0x89: {  	[sflag:s18] =	ssyncadd.s32 $0xFFFFFF80  }
0x8a: {  	[tilespmem:s22], [sflag:$0x3] =	stream.linear.gather [hbm4b:s12+s3], $0x80, $0x38;
	[tilespmem:$0x1C200] =	vst v63  }
0x8b: {  	_ =	swait.ge [sflag:s18], $0x80  }
0x8c: {  	[sflag:s18] =	ssyncset.done $0x0  }
0x8d: {  	[sflag:s18] =	ssyncadd.s32 $0xFFFFFF80  }
0x8e: {  	[tilespmem:s23], [sflag:$0x2] =	stream.indirect.gather [hbm4b:s4+s20], $0x80, s20, s20, $0xb8;
	[tilespmem:$0x1C200] =	vst v63  }
0x8f: {  	_ =	swait.ge [sflag:s24], $0x4000  }
0x90: {  	[sflag:s24] =	ssyncset.done $0x0  }
0x91: {  	[sflag:s24] =	ssyncadd.s32 $0xFFFFC000  }
0x92: {  	[spmem:s2] =	stream.indirect.scatter.add.f32 [tilespmem:s21], [sflag:$0x3], $0x80, s19, s20, $0xb8;
	[tilespmem:$0x1C200] =	vst v63  }
0x93: {  	_ =	swait.ge [sflag:s18], $0x4000  }
0x94: {  	[sflag:s18] =	ssyncset.done $0x0  }
0x95: {  	[sflag:s18] =	ssyncadd.s32 $0xFFFFC000  }
0x96: {  	_ =	swait.ge [sflag:s25], $0x4000  }
0x97: {  	[sflag:s25] =	ssyncset.done $0x0  }
0x98: {  	[sflag:s25] =	ssyncadd.s32 $0xFFFFC000  }
0x99: {  	[spmem:s2] =	stream.indirect.scatter.add.f32 [tilespmem:s23], [sflag:$0x3], $0x80, s22, s20, $0xb8;
	[tilespmem:$0x1C200] =	vst v63  }
0x9a: {  	_ =	swait.ge [sflag:s18], $0x4000  }
0x9b: {  	s26 =	sadd.s32 $0x1, s26;
	[sflag:s18] =	ssyncset.done $0x0  }
0x9c: {  	p0 =	sne.s32 s26, s10;
	[sflag:s18] =	ssyncadd.s32 $0xFFFFC000  }
.Ltmp1:
0x9d: {  	[bflag:$0x0] =	sbarrier.arrive $0xFFFF;
	(pc) =	sbr.rel @p0 .LBB2_1-.Ltmp1, $4  }
0x9e: {  	[hbm:s9], [sflag:s6] =	dma.local [spmem:s17], $0x2800  }
0x9f: {  	_ =	swait.ge [sflag:s18], $0x2800  }
0xa0: {  	[sflag:s18] =	ssyncset.done $0x0  }
0xa1: {  	[sflag:s18] =	ssyncadd.s32 $0xFFFFD800  }
0xa2: {  	_ =	sfence.sel $0x180000  }
0xa3: {  	[bflag:$0x0] =	sbarrier.arrive $0xFFFF  }
0xa4: {  	_ =	strace $0x9000004D  }
0xa5: {  	[bflag:$0x2] =	sbarrier.arrive $0xFFFF  }
0xa6: {  	p0 =	sne.s32 s1, $0x0;
	s0 =	rddreg [dreg:$0x2]  }
0xa7: {  	s0 =	sadd.s32 @!p0 $0x100000, s0  }
0xa8: {  	[sflag:s0] =	ssyncadd.tile.s32 @!p0 $0x1;
	_ =	shalt  }
.Lfunc_end2:
_tile_overlayer_lowered:
.L_overlay_start_2:
0xa9: {  	(tag) =	ssettag $0x2  }
0xaa: {  	s0 =	rddreg [dreg:$0x0];
	s2 =	stileid.u32  }
0xab: {  	s1 =	rddreg [dreg:$0x1];
	p0 =	sne.s32 s2, $0x0  }
0xac: {  	s3 =	rddreg [dreg:$0x2];
	[bflag:$0x3] =	sbarrier.arrive $0xFFFF;
	s2 =	simm.s32 @!p0 $0x1C03  }
0xad: {  	[timem:s3], [sflag:s2] =	dma.local @!p0 [hbm:s0], s1  }
0xae: {  	s0 =	simm.s32 @!p0 $0x3  }
0xaf: {  	_ =	swait.ge @!p0 [sflag:s0], s1  }
0xb0: {  	s1 =	ssub.s32 @!p0 $0x0, s1;
	[sflag:s0] =	ssyncset.done @!p0 $0x0  }
0xb1: {  	[sflag:s0] =	ssyncadd.s32 @!p0 s1  }
0xb2: {  	[bflag:$0x3] =	sbarrier.arrive $0xFFFF  }
0xb3: {  	_ =	shalt  }

// kernel: kernel.8.cloned.1.call-start
scs
__scs_entry_jumppad:
0x0: {  	(pc) =	sbr.rel $0x88, $3  }
0x1: {  	(tag) =	ssettag $0x0;
	lr =	simm.s32 $0x1  }
0x2: {  	[smem:$0x3F93] =	sst lr;
	_ =	strace $0xD0000000  }
0x3: {  	_ = 	snop  }
0x4: {  	_ = 	snop  }
0x5: {  	_ = 	snop  }
0x6: {  	_ = 	snop  }
0x7: {  	_ = 	snop  }
__scs_overlays_trampoline_lowered:
0x8: {  	[smem:$0x3FA2] =	sst s0  }
0x9: {  	[smem:$0x3FA3] =	sst s1  }
0xa: {  	[smem:$0x3FA4] =	sst s2  }
0xb: {  	[smem:$0x3FA5] =	sst s3  }
0xc: {  	[smem:$0x3FA6] =	sst s4  }
0xd: {  	[smem:$0x3FA7] =	sst s5  }
0xe: {  	[smem:$0x3FA8] =	sst s6  }
0xf: {  	[smem:$0x3FA9] =	sst s7  }
0x10: {  	[smem:$0x3FAA] =	sst s8  }
0x11: {  	[smem:$0x3FAB] =	sst s9;
	s0 =	simm.s32 @!p0 $0x0  }
0x12: {  	s1 =	sld [smem:$0x3F91];
	s0 =	simm.s32 @p0 $0x1  }
0x13: {  	[smem:$0x3FAC] =	sst s0;
	s0 =	simm.s32 @!p1 $0x0  }
0x14: {  	s2 =	sld [smem:$0x3F90];
	s0 =	simm.s32 @p1 $0x1  }
0x15: {  	[smem:$0x3FAD] =	sst s0;
	s0 =	simm.s32 @!p2 $0x0  }
0x16: {  	s3 =	sld [smem:$0x3FDB];
	s0 =	simm.s32 @p2 $0x1  }
0x17: {  	s4 =	simm.s32 $0x1BF5;
	[smem:$0x3FAF] =	sst s0  }
0x18: {  	s0 =	sld [smem:$0x3F92];
	_ =	swait.ge [sflag:s4], $0x0  }
0x19: {  	s7 =	sld [smem:$0x3F93]  }
0x1a: {  	s8 =	sadd.s32 $0xFFFFE003, lr  }
0x1b: {  	s9 =	sadd.s32 $0xFFFFFEF7, lr;
	s5 =	simm.s32 $0xFFFFFFFF;
	p2 =	slt.u32 s8, $0xFFFFF086  }
0x1c: {  	p1 =	slt.u32 s9, $0xF7A;
	s5 =	simm.s32 @!p2 $0x0  }
0x1d: {  	s5 =	simm.s32 @p1 $0x1;
	p0 =	seq.s32 s7, s2  }
0x1e: {  	s7 =	smul.u32 @!p0 $0xF7A, s2;
	p2 =	seq.s32 @!p0 s5, $0x0  }
0x1f: {  	s9 =	smul.u32 $0xF7A, s1;
	s8 =	simm.s32 @!p0 $0x1BF5;
	p2 =	por !p2, p0  }
0x20: {  	[sflag:s8] =	ssyncset.s32 @!p0 $0xFFFFF086;
	s6 =	sadd.s32 @!p0 s3, s7;
	s7 =	simm.s32 @!p0 $0x108  }
0x21: {  	s3 =	sadd.s32 s3, s9;
	s6 =	sadd.s32 @!p0 $0x88, s6;
	s7 =	simm.s32 @p2 $0x1082  }
0x22: {  	[simem:s7], [sflag:s8] =	dma.local @!p0 [hbm:s6], $0xF7A  }
0x23: {  	s9 =	sor.u32 $0xD0000000, s2;
	s6 =	simm.s32 $0x108;
	_ =	swait.ge @!p0 [sflag:s8], $0x0  }
0x24: {  	s3 =	sadd.s32 $0x88, s3;
	s6 =	simm.s32 @!p1 $0x1082;
	[sflag:s4] =	ssyncset.s32 $0xFFFFF086  }
0x25: {  	[simem:s6], [sflag:s4] =	dma.local [hbm:s3], $0xF7A  }
0x26: {  	[smem:$0x3F93] =	sst s1;
	(tag) =	ssettag s2;
	_ =	strace s9  }
0x27: {  	s1 =	sld [smem:$0x3FA3]  }
0x28: {  	s2 =	sld [smem:$0x3FA4]  }
0x29: {  	s4 =	sld [smem:$0x3FA6]  }
0x2a: {  	p0 =	seq.s32 s5, $0x0;
	s5 =	sld [smem:$0x3FA7]  }
0x2b: {  	s6 =	sld [smem:$0x3FA8]  }
0x2c: {  	s7 =	sld [smem:$0x3FA9]  }
0x2d: {  	s3 =	simm.s32 $0x108;
	s8 =	sld [smem:$0x3FAA]  }
0x2e: {  	s3 =	simm.s32 @!p0 $0x1082;
	s9 =	sld [smem:$0x3FAB]  }
0x2f: {  	lr =	sadd.s32 s0, s3;
	s0 =	sld [smem:$0x3FA2]  }
0x30: {  	s3 =	sld [smem:$0x3FA5]  }
0x31: {  	[smem:$0x3FAE] =	sst s10  }
0x32: {  	s10 =	sld [smem:$0x3FAC];
	_ =	sdelay $0x3  }
0x33: {  	p0 =	seq.s32 s10, $0x1;
	s10 =	sld [smem:$0x3FAE];
	_ =	sdelay $0x3  }
0x34: {  	[smem:$0x3FAE] =	sst s10  }
0x35: {  	s10 =	sld [smem:$0x3FAD];
	_ =	sdelay $0x3  }
0x36: {  	p1 =	seq.s32 s10, $0x1;
	s10 =	sld [smem:$0x3FAE];
	_ =	sdelay $0x3  }
0x37: {  	[smem:$0x3FAE] =	sst s10  }
0x38: {  	s10 =	sld [smem:$0x3FAF]  }
0x39: {  	_ = 	snop;
	(pc) =	sbr.ind lr, $3  }
0x3a: {  	_ = 	snop  }
0x3b: {  	_ = 	snop  }
0x3c: {  	p2 =	seq.s32 s10, $0x1;
	s10 =	sld [smem:$0x3FAE]  }
0x3d: {  	_ =	shalt  }
0x3e: {  	_ =	shalt  }
0x3f: {  	_ =	shalt  }
0x40: {  	_ =	shalt  }
0x41: {  	_ =	shalt  }
0x42: {  	_ =	shalt  }
0x43: {  	_ =	shalt  }
0x44: {  	_ =	shalt  }
0x45: {  	_ =	shalt  }
0x46: {  	_ =	shalt  }
0x47: {  	_ =	shalt  }
0x48: {  	_ =	shalt  }
0x49: {  	_ =	shalt  }
0x4a: {  	_ =	shalt  }
0x4b: {  	_ =	shalt  }
0x4c: {  	_ =	shalt  }
0x4d: {  	_ =	shalt  }
0x4e: {  	_ =	shalt  }
0x4f: {  	_ =	shalt  }
0x50: {  	_ =	shalt  }
0x51: {  	_ =	shalt  }
0x52: {  	_ =	shalt  }
0x53: {  	_ =	shalt  }
0x54: {  	_ =	shalt  }
0x55: {  	_ =	shalt  }
0x56: {  	_ =	shalt  }
0x57: {  	_ =	shalt  }
0x58: {  	_ =	shalt  }
0x59: {  	_ =	shalt  }
0x5a: {  	_ =	shalt  }
0x5b: {  	_ =	shalt  }
0x5c: {  	_ =	shalt  }
0x5d: {  	_ =	shalt  }
0x5e: {  	_ =	shalt  }
0x5f: {  	_ =	shalt  }
0x60: {  	_ =	shalt  }
0x61: {  	_ =	shalt  }
0x62: {  	_ =	shalt  }
0x63: {  	_ =	shalt  }
0x64: {  	_ =	shalt  }
0x65: {  	_ =	shalt  }
0x66: {  	_ =	shalt  }
0x67: {  	_ =	shalt  }
0x68: {  	_ =	shalt  }
0x69: {  	_ =	shalt  }
0x6a: {  	_ =	shalt  }
0x6b: {  	_ =	shalt  }
0x6c: {  	_ =	shalt  }
0x6d: {  	_ =	shalt  }
0x6e: {  	_ =	shalt  }
0x6f: {  	_ =	shalt  }
0x70: {  	_ =	shalt  }
0x71: {  	_ =	shalt  }
0x72: {  	_ =	shalt  }
0x73: {  	_ =	shalt  }
0x74: {  	_ =	shalt  }
0x75: {  	_ =	shalt  }
0x76: {  	_ =	shalt  }
0x77: {  	_ =	shalt  }
0x78: {  	_ =	shalt  }
0x79: {  	_ =	shalt  }
0x7a: {  	_ =	shalt  }
0x7b: {  	_ =	shalt  }
0x7c: {  	_ =	shalt  }
0x7d: {  	_ =	shalt  }
0x7e: {  	_ =	shalt  }
0x7f: {  	_ =	shalt  }
0x80: {  	_ =	shalt  }
0x81: {  	_ =	shalt  }
0x82: {  	_ =	shalt  }
0x83: {  	_ =	shalt  }
0x84: {  	_ =	shalt  }
0x85: {  	_ =	shalt  }
0x86: {  	_ =	shalt  }
0x87: {  	_ =	shalt  }
.Lfunc_end0:
.L_simem_size_0:
called_computation_lowered:
.L_overlay_start_0:
0x88: {  	s2 =	sld [smem:$0x3FD9]  }
0x89: {  	s3 =	sld [smem:$0x3FFE];
	_ =	sdelay $0x1  }
0x8a: {  	s1 =	srdreg.scid  }
0x8b: {  	s0 =	sand.u32 $0x1, s1  }
0x8c: {  	s17 =	sshll.u32 s0, $0xA;
	s2 =	sadd.s32 s3, s2  }
0x8d: {  	s2 =	sadd.s32 s2, s17  }
0x8e: {  	[smem:$0x3FBA] =	sst s2  }
0x8f: {  	_ = 	snop  }
0x90: {  	s2 =	sld [smem:$0x3FC6];
	(tm) =	ssettm $0x1  }
0x91: {  	s18 =	sld [smem:$0x3FFB];
	_ =	sdelay $0x3  }
0x92: {  	_ =	strace s18  }
0x93: {  	s3 =	sld [smem:$0x3FFC];
	_ =	sdelay $0x3  }
0x94: {  	_ =	strace s3  }
0x95: {  	s3 =	sld [smem:$0x3FFD];
	_ =	sdelay $0x3  }
0x96: {  	_ =	strace s3  }
0x97: {  	_ =	strace $0x8FFFFFFF  }
0x98: {  	s19 =	sld [smem:$0x3FDB];
	_ =	sdelay $0x1  }
0x99: {  	s4 =	simm.s32 $_scs_section_size  }
0x9a: {  	s5 =	simm.s32 $_size__tile_overlayer_lowered;
	s6 =	simm.s32 $_tile_overlayer_lowered  }
0x9b: {  	s22 =	simm.s32 $0x1BFF;
	s21 =	sshll.u32 s6, $0x1;
	s3 =	sadd.s32 s4, s19  }
0x9c: {  	s7 =	simm.s32 $0x0;
	s20 =	sshll.u32 s5, $0x1;
	s5 =	sadd.s32 s21, s3  }
0x9d: {  	[timem:s7], [sflag:s22] =	dma.local [hbm:s5], s20  }
0x9e: {  	_ =	swait.ge [sflag:s22], s20  }
0x9f: {  	s4 =	ssub.s32 $0x0, s20;
	[sflag:s22] =	ssyncset.done $0x0  }
0xa0: {  	[sflag:s22] =	ssyncadd.s32 s4;
	_ =	sdelay $0x1  }
0xa1: {  	s23 =	simm.s32 $0x1B8B  }
0xa2: {  	_ =	swait.ge [sflag:s23], $0x1  }
0xa3: {  	[sflag:s23] =	ssyncset.done $0x0  }
0xa4: {  	s25 =	simm.s32 $0x1B8E;
	s24 =	sld [smem:$0x3FFE];
	[sflag:s23] =	ssyncadd.s32 $0xFFFFFFFF  }
0xa5: {  	s26 =	simm.s32 $execute0_lowered;
	[smem:$0x3FD2] =	sst s25  }
0xa6: {  	s5 =	sshll.u32 s26, $0x1;
	_ =	strace $0x80000046;
	[dreg:$0x1] =	wrdreg $0xFFFFFFFF  }
0xa7: {  	s28 =	simm.s32 $_size_execute0_lowered;
	s3 =	sadd.s32 s3, s5;
	[dreg:$0x0] =	wrdreg $0x0  }
0xa8: {  	s5 =	sshll.u32 s28, $0x1;
	[dreg:$0x2] =	wrdreg s3  }
0xa9: {  	[dreg:$0x3] =	wrdreg s5  }
0xaa: {  	[dreg:$0x4] =	wrdreg $0xC0  }
0xab: {  	_ =	task [dreg:s7], $0x5FFFF  }
0xac: {  	[dreg:$0x1] =	wrdreg $0xFFFFFFFF  }
0xad: {  	[dreg:$0x0] =	wrdreg $0x60  }
0xae: {  	[dreg:$0x2] =	wrdreg s24  }
0xaf: {  	[dreg:$0x3] =	wrdreg s2  }
0xb0: {  	[dreg:$0x4] =	wrdreg $0x7C800  }
0xb1: {  	[dreg:$0x5] =	wrdreg $0x9  }
0xb2: {  	_ =	task.clear_ibuf [dreg:s7], $0x6FFFF;
	_ =	strace $0x90000046  }
0xb3: {  	s29 =	simm.s32 $0x9;
	_ =	strace $0x80000048  }
0xb4: {  	_ =	swait.ge [sflag:s29], $0x1  }
0xb5: {  	[sflag:s29] =	ssyncadd.s32 $0xFFFFFFFF  }
0xb6: {  	_ =	strace $0x90000048  }
0xb7: {  	_ =	sfence  }
0xb8: {  	s30 =	sld [smem:$0x0];
	_ =	sdelay $0x2  }
0xb9: {  	s31 =	sshll.u32 s1, $0xD;
	s1 =	sshrl.u32 s1, $0x2  }
0xba: {  	s3 =	sand.u32 $0x4000, s31;
	s1 =	sadd.s32 s1, s30  }
0xbb: {  	s0 =	sor.u32 s3, s0;
	s1 =	sshll.u32 s1, $0x11  }
0xbc: {  	s0 =	sor.u32 s1, s0  }
0xbd: {  	s0 =	sadd.s32 $0x8F2B, s0  }
0xbe: {  	[sflag:s0] =	ssyncadd.remote.s32 $0x1  }
0xbf: {  	_ =	sfence.sel $0xFFFF  }
0xc0: {  	[dreg:$0x0] =	wrdreg $0xFFFFFFFF;
	(pc) =	sbr.abs _section_cstart, $3  }
0xc1: {  	[dreg:$0x1] =	wrdreg $0xFFFFFFFF  }
0xc2: {  	_ =	task.clear_ibuf [dreg:s7], $0x2FFFF;
	_ =	strace $0x9FFFFFFF  }
0xc3: {  	(tm) =	ssettm $0x7FFFFFFF  }
tec
execute0_lowered:
.L_overlay_start_1:
0x0: {  	(tag) =	ssettag $0x1  }
0x1: {  	s0 =	rddreg [dreg:$0x0];
	s1 =	srdreg.scid  }
0x2: {  	s11 =	stileid.u32;
	s2 =	rddreg [dreg:$0x1]  }
0x3: {  	s3 =	rddreg [dreg:$0x2];
	s28 =	simm.s32 $0x1400;
	s29 =	simm.s32 $0x50  }
0x4: {  	s30 =	simm.s32 $0x1480;
	s31 =	simm.s32 $0x2;
	s1 =	sand.u32 $0x1, s1  }
0x5: {  	s4 =	sshll.u32 s11, $0x1;
	s7 =	smul.u32 $0x14000, s11;
	s19 =	sadd.s32 $0x4400, s0  }
0x6: {  	s26 =	sadd.s32 $0x40A00, s0;
	s12 =	smul.u32 $0x50000, s11;
	s20 =	sadd.s32 $0x91200, s0  }
0x7: {  	s15 =	sshll.u32 s11, $0x6;
	s5 =	sor.u32 s1, s4;
	s9 =	smul.u32 $0x140000, s1  }
0x8: {  	s4 =	simm.s32 $0x0;
	s1 =	ssub.s32 $0x2, s1;
	s6 =	smul.u32 $0x2800, s5  }
0x9: {  	[smem:$0x7FF] =	sst s4;
	s8 =	sshrl.u32 s7, $0x3;
	s17 =	smul.u32 $0x140, s5  }
0xa: {  	s13 =	sshrl.u32 s1, $0x1;
	s14 =	sshrl.u32 s12, $0x2;
	s5 =	smul.u32 $0x1400, s5  }
0xb: {  	_ =	strace $0x80000047;
	s8 =	sadd.s32 s8, s0;
	[dreg:$0x4] =	wrdreg s26  }
0xc: {  	s9 =	sadd.s32 s7, s9;
	s1 =	ssub.s32 s1, s13;
	s6 =	sshrl.u32 s6, $0x3  }
0xd: {  	s7 =	sadd.s32 $0x18A00, s8;
	s8 =	sor.u32 $0x1C03, s15;
	s12 =	sshrl.u32 s17, $0x3  }
0xe: {  	s16 =	sadd.s32 $0x50, s17;
	s13 =	smax.u32 s1, $0x1;
	s21 =	sadd.s32 $0xA0, s17  }
0xf: {  	s23 =	sadd.s32 $0xF0, s17;
	s1 =	simm.s32 $0x0;
	s10 =	sadd.s32 s6, s0  }
0x10: {  	s6 =	sshrl.u32 s9, $0x3;
	s12 =	sadd.s32 s19, s12;
	s18 =	sshrl.u32 s16, $0x3  }
0x11: {  	s22 =	sshrl.u32 s21, $0x3;
	s24 =	sshll.u32 s21, $0x4;
	s25 =	sshrl.u32 s23, $0x3  }
0x12: {  	s26 =	sshll.u32 s23, $0x4;
	s21 =	simm.s32 $0x3;
	s23 =	simm.s32 $0x80  }
0x13: {  	s0 =	sadd.s32 s6, s0;
	s6 =	sadd.s32 s14, s3;
	s9 =	sadd.s32 $0x4A00, s10  }
0x14: {  	s10 =	sadd.s32 $0x4C80, s10;
	s14 =	sadd.s32 s20, s5;
	s15 =	sadd.s32 s19, s18  }
0x15: {  	s17 =	sadd.s32 s19, s22;
	s18 =	sadd.s32 s20, s24;
	s19 =	sadd.s32 s19, s25  }
0x16: {  	s22 =	simm.s32 $0x3C80;
	s24 =	simm.s32 $0x100;
	s25 =	simm.s32 $0x180  }
0x17: {  	[dreg:$0x5] =	wrdreg s6;
	s11 =	sadd.s32 $0x41200, s0;
	s0 =	sshll.u32 s16, $0x4  }
0x18: {  	s16 =	sadd.s32 s20, s0;
	s20 =	sadd.s32 s20, s26;
	s26 =	simm.s32 $0x1  }
.LBB2_1:
0x19: {  	s0 =	rddreg [dreg:$0x5]  }
0x1a: {  	s0 =	sshrl.u32 s0, $0x3  }
0x1b: {  	[spmem:s0], [sflag:s8] =	dma.local [hbm:s7], $0x2800  }
0x1c: {  	_ =	swait.ge [sflag:s21], $0x2800  }
0x1d: {  	[sflag:s21] =	ssyncset.done $0x0  }
0x1e: {  	s5 =	rddreg [dreg:$0x4];
	[sflag:s21] =	ssyncadd.s32 $0xFFFFD800  }
0x1f: {  	[tilespmem:s22], [sflag:$0x3] =	stream.linear.gather [hbm4b:s5+s4], $0x4000, $0x38;
	[tilespmem:$0x1BC80] =	vst v63  }
0x20: {  	_ =	swait.ge [sflag:s21], $0x4000  }
0x21: {  	[sflag:s21] =	ssyncset.done $0x0  }
0x22: {  	[sflag:s21] =	ssyncadd.s32 $0xFFFFC000  }
0x23: {  	[bflag:$0x0] =	sbarrier.arrive $0xFFFF  }
0x24: {  	[tilespmem:s4], [sflag:$0x3] =	stream.linear.gather [hbm4b:s9+s4], $0x1400, $0x38;
	[tilespmem:$0x1BC80] =	vst v63  }
0x25: {  	_ =	swait.ge [sflag:s21], $0x1400  }
0x26: {  	[sflag:s21] =	ssyncset.done $0x0  }
0x27: {  	[sflag:s21] =	ssyncadd.s32 $0xFFFFEC00  }
0x28: {  	[spmem:s3] =	stream.indirect.scatter.add.f32 [tilespmem:s22], [sflag:$0x1], $0x80, s4, s23, $0xb8;
	[tilespmem:$0x1BC80] =	vst v63  }
0x29: {  	_ = 	snop  }
0x2a: {  	[spmem:s3] =	stream.indirect.scatter.add.f32 [tilespmem:s22], [sflag:$0x1], $0x80, s23, s23, $0xb8;
	[tilespmem:$0x1BC80] =	vst v63  }
0x2b: {  	_ = 	snop  }
0x2c: {  	[spmem:s3] =	stream.indirect.scatter.add.f32 [tilespmem:s22], [sflag:$0x1], $0x80, s24, s23, $0xb8;
	[tilespmem:$0x1BC80] =	vst v63  }
0x2d: {  	_ = 	snop  }
0x2e: {  	[spmem:s3] =	stream.indirect.scatter.add.f32 [tilespmem:s22], [sflag:$0x1], $0x80, s25, s23, $0xb8;
	[tilespmem:$0x1BC80] =	vst v63  }
0x2f: {  	s6 =	simm.s32 $0x200  }
0x30: {  	[spmem:s3] =	stream.indirect.scatter.add.f32 [tilespmem:s22], [sflag:$0x1], $0x80, s6, s23, $0xb8;
	[tilespmem:$0x1BC80] =	vst v63  }
0x31: {  	_ =	swait.ge [sflag:s26], $0x4000  }
0x32: {  	s5 =	simm.s32 $0xA00;
	[sflag:s26] =	ssyncset.done $0x0  }
.LBB2_2:
0x33: {  	s6 =	sshra.s32 s5, $0x2;
	[sflag:s26] =	ssyncadd.s32 $0xFFFFC000;
	p0 =	sne.s32 s5, $0x4E00  }
0x34: {  	[spmem:s3] =	stream.indirect.scatter.add.f32 [tilespmem:s22], [sflag:$0x1], $0x80, s6, s23, $0xb8;
	[tilespmem:$0x1BC80] =	vst v63  }
.Ltmp0:
0x35: {  	_ = 	snop;
	(pc) =	sbr.rel @p0 .LBB2_2-.Ltmp0, $4  }
0x36: {  	_ = 	snop  }
0x37: {  	s5 =	sadd.s32 $0x200, s5  }
0x38: {  	_ =	swait.ge [sflag:s26], $0x4000  }
0x39: {  	[sflag:s26] =	ssyncset.done $0x0  }
0x3a: {  	[sflag:s26] =	ssyncadd.s32 $0xFFFFC000  }
0x3b: {  	_ =	swait.ge [sflag:s26], $0x4000  }
0x3c: {  	[sflag:s26] =	ssyncset.done $0x0  }
0x3d: {  	[sflag:s26] =	ssyncadd.s32 $0xFFFFC000  }
0x3e: {  	_ =	swait.ge [sflag:s26], $0x4000  }
0x3f: {  	[sflag:s26] =	ssyncset.done $0x0  }
0x40: {  	[sflag:s26] =	ssyncadd.s32 $0xFFFFC000  }
0x41: {  	_ =	swait.ge [sflag:s26], $0x4000  }
0x42: {  	[sflag:s26] =	ssyncset.done $0x0  }
0x43: {  	[sflag:s26] =	ssyncadd.s32 $0xFFFFC000  }
0x44: {  	_ =	swait.ge [sflag:s26], $0x4000  }
0x45: {  	[sflag:s26] =	ssyncset.done $0x0  }
0x46: {  	[sflag:s26] =	ssyncadd.s32 $0xFFFFC000  }
0x47: {  	[tilespmem:s4], [sflag:$0x3] =	stream.linear.gather [hbm4b:s10+s4], $0x1400, $0x38;
	[tilespmem:$0x1BC80] =	vst v63  }
0x48: {  	_ =	swait.ge [sflag:s21], $0x1400  }
0x49: {  	[sflag:s21] =	ssyncset.done $0x0  }
0x4a: {  	[sflag:s21] =	ssyncadd.s32 $0xFFFFEC00  }
0x4b: {  	[spmem:s3] =	stream.indirect.scatter.add.f32 [tilespmem:s22], [sflag:$0x1], $0x80, s4, s23, $0xb8;
	[tilespmem:$0x1BC80] =	vst v63  }
0x4c: {  	_ = 	snop  }
0x4d: {  	[spmem:s3] =	stream.indirect.scatter.add.f32 [tilespmem:s22], [sflag:$0x1], $0x80, s23, s23, $0xb8;
	[tilespmem:$0x1BC80] =	vst v63  }
0x4e: {  	_ = 	snop  }
0x4f: {  	[spmem:s3] =	stream.indirect.scatter.add.f32 [tilespmem:s22], [sflag:$0x1], $0x80, s24, s23, $0xb8;
	[tilespmem:$0x1BC80] =	vst v63  }
0x50: {  	_ = 	snop  }
0x51: {  	[spmem:s3] =	stream.indirect.scatter.add.f32 [tilespmem:s22], [sflag:$0x1], $0x80, s25, s23, $0xb8;
	[tilespmem:$0x1BC80] =	vst v63  }
0x52: {  	s5 =	simm.s32 $0x200  }
0x53: {  	[spmem:s3] =	stream.indirect.scatter.add.f32 [tilespmem:s22], [sflag:$0x1], $0x80, s5, s23, $0xb8;
	[tilespmem:$0x1BC80] =	vst v63  }
0x54: {  	_ =	swait.ge [sflag:s26], $0x4000  }
0x55: {  	s5 =	simm.s32 $0xA00;
	[sflag:s26] =	ssyncset.done $0x0  }
.LBB2_4:
0x56: {  	s6 =	sshra.s32 s5, $0x2;
	[sflag:s26] =	ssyncadd.s32 $0xFFFFC000;
	p0 =	sne.s32 s5, $0x4E00  }
0x57: {  	[spmem:s3] =	stream.indirect.scatter.add.f32 [tilespmem:s22], [sflag:$0x1], $0x80, s6, s23, $0xb8;
	[tilespmem:$0x1BC80] =	vst v63  }
.Ltmp1:
0x58: {  	_ = 	snop;
	(pc) =	sbr.rel @p0 .LBB2_4-.Ltmp1, $4  }
0x59: {  	_ = 	snop  }
0x5a: {  	s5 =	sadd.s32 $0x200, s5  }
0x5b: {  	_ =	swait.ge [sflag:s26], $0x4000  }
0x5c: {  	[sflag:s26] =	ssyncset.done $0x0  }
0x5d: {  	[sflag:s26] =	ssyncadd.s32 $0xFFFFC000  }
0x5e: {  	_ =	swait.ge [sflag:s26], $0x4000  }
0x5f: {  	[sflag:s26] =	ssyncset.done $0x0  }
0x60: {  	[sflag:s26] =	ssyncadd.s32 $0xFFFFC000  }
0x61: {  	_ =	swait.ge [sflag:s26], $0x4000  }
0x62: {  	[sflag:s26] =	ssyncset.done $0x0  }
0x63: {  	[sflag:s26] =	ssyncadd.s32 $0xFFFFC000  }
0x64: {  	_ =	swait.ge [sflag:s26], $0x4000  }
0x65: {  	[sflag:s26] =	ssyncset.done $0x0  }
0x66: {  	[sflag:s26] =	ssyncadd.s32 $0xFFFFC000  }
0x67: {  	_ =	swait.ge [sflag:s26], $0x4000  }
0x68: {  	[sflag:s26] =	ssyncset.done $0x0  }
0x69: {  	[sflag:s26] =	ssyncadd.s32 $0xFFFFC000  }
0x6a: {  	[tilespmem:s28], [sflag:$0x3] =	stream.linear.gather [hbm4b:s12+s4], $0x50, $0x38;
	[tilespmem:$0x1BC80] =	vst v63  }
0x6b: {  	_ =	swait.ge [sflag:s21], $0x50  }
0x6c: {  	[sflag:s21] =	ssyncset.done $0x0  }
0x6d: {  	[sflag:s21] =	ssyncadd.s32 $0xFFFFFFB0  }
0x6e: {  	[tilespmem:s30], [sflag:$0x2] =	stream.indirect.gather [hbm4b:s2+s29], $0x80, s28, s29, $0xb8;
	[tilespmem:$0x1BC80] =	vst v63  }
0x6f: {  	_ =	swait.ge [sflag:s31], $0x2800  }
0x70: {  	[sflag:s31] =	ssyncset.done $0x0  }
0x71: {  	[sflag:s31] =	ssyncadd.s32 $0xFFFFD800  }
0x72: {  	[hbm4b:s14+s4] =	stream.linear.scatter [tilespmem:s30], [sflag:$0x3], $0x2800, $0x38;
	[tilespmem:$0x1BC80] =	vst v63  }
0x73: {  	_ =	swait.ge [sflag:s21], $0x2800  }
0x74: {  	[sflag:s21] =	ssyncset.done $0x0  }
0x75: {  	[sflag:s21] =	ssyncadd.s32 $0xFFFFD800  }
0x76: {  	[tilespmem:s28], [sflag:$0x3] =	stream.linear.gather [hbm4b:s15+s4], $0x50, $0x38;
	[tilespmem:$0x1BC80] =	vst v63  }
0x77: {  	_ =	swait.ge [sflag:s21], $0x50  }
0x78: {  	[sflag:s21] =	ssyncset.done $0x0  }
0x79: {  	[sflag:s21] =	ssyncadd.s32 $0xFFFFFFB0  }
0x7a: {  	[tilespmem:s30], [sflag:$0x2] =	stream.indirect.gather [hbm4b:s2+s29], $0x80, s28, s29, $0xb8;
	[tilespmem:$0x1BC80] =	vst v63  }
0x7b: {  	_ =	swait.ge [sflag:s31], $0x2800  }
0x7c: {  	[sflag:s31] =	ssyncset.done $0x0  }
0x7d: {  	[sflag:s31] =	ssyncadd.s32 $0xFFFFD800  }
0x7e: {  	[hbm4b:s16+s4] =	stream.linear.scatter [tilespmem:s30], [sflag:$0x3], $0x2800, $0x38;
	[tilespmem:$0x1BC80] =	vst v63  }
0x7f: {  	_ =	swait.ge [sflag:s21], $0x2800  }
0x80: {  	[sflag:s21] =	ssyncset.done $0x0  }
0x81: {  	[sflag:s21] =	ssyncadd.s32 $0xFFFFD800  }
0x82: {  	[tilespmem:s28], [sflag:$0x3] =	stream.linear.gather [hbm4b:s17+s4], $0x50, $0x38;
	[tilespmem:$0x1BC80] =	vst v63  }
0x83: {  	_ =	swait.ge [sflag:s21], $0x50  }
0x84: {  	[sflag:s21] =	ssyncset.done $0x0  }
0x85: {  	[sflag:s21] =	ssyncadd.s32 $0xFFFFFFB0  }
0x86: {  	[tilespmem:s30], [sflag:$0x2] =	stream.indirect.gather [hbm4b:s2+s29], $0x80, s28, s29, $0xb8;
	[tilespmem:$0x1BC80] =	vst v63  }
0x87: {  	_ =	swait.ge [sflag:s31], $0x2800  }
0x88: {  	[sflag:s31] =	ssyncset.done $0x0  }
0x89: {  	[sflag:s31] =	ssyncadd.s32 $0xFFFFD800  }
0x8a: {  	[hbm4b:s18+s4] =	stream.linear.scatter [tilespmem:s30], [sflag:$0x3], $0x2800, $0x38;
	[tilespmem:$0x1BC80] =	vst v63  }
0x8b: {  	_ =	swait.ge [sflag:s21], $0x2800  }
0x8c: {  	[sflag:s21] =	ssyncset.done $0x0  }
0x8d: {  	[sflag:s21] =	ssyncadd.s32 $0xFFFFD800  }
0x8e: {  	[tilespmem:s28], [sflag:$0x3] =	stream.linear.gather [hbm4b:s19+s4], $0x50, $0x38;
	[tilespmem:$0x1BC80] =	vst v63  }
0x8f: {  	_ =	swait.ge [sflag:s21], $0x50  }
0x90: {  	[sflag:s21] =	ssyncset.done $0x0  }
0x91: {  	[sflag:s21] =	ssyncadd.s32 $0xFFFFFFB0  }
0x92: {  	[tilespmem:s30], [sflag:$0x2] =	stream.indirect.gather [hbm4b:s2+s29], $0x80, s28, s29, $0xb8;
	[tilespmem:$0x1BC80] =	vst v63  }
0x93: {  	_ =	swait.ge [sflag:s31], $0x2800  }
0x94: {  	[sflag:s31] =	ssyncset.done $0x0  }
0x95: {  	[sflag:s31] =	ssyncadd.s32 $0xFFFFD800  }
0x96: {  	[hbm4b:s20+s4] =	stream.linear.scatter [tilespmem:s30], [sflag:$0x3], $0x2800, $0x38;
	[tilespmem:$0x1BC80] =	vst v63  }
0x97: {  	_ =	swait.ge [sflag:s21], $0x2800  }
0x98: {  	s1 =	sadd.s32 $0x1, s1;
	[sflag:s21] =	ssyncset.done $0x0  }
0x99: {  	p0 =	sne.s32 s1, s13;
	[sflag:s21] =	ssyncadd.s32 $0xFFFFD800  }
.Ltmp2:
0x9a: {  	[bflag:$0x0] =	sbarrier.arrive $0xFFFF;
	(pc) =	sbr.rel @p0 .LBB2_1-.Ltmp2, $4  }
0x9b: {  	[hbm:s11], [sflag:s8] =	dma.local [spmem:s0], $0x2800  }
0x9c: {  	_ =	swait.ge [sflag:s21], $0x2800  }
0x9d: {  	[sflag:s21] =	ssyncset.done $0x0  }
0x9e: {  	[sflag:s21] =	ssyncadd.s32 $0xFFFFD800  }
0x9f: {  	_ =	sfence.sel $0x180000  }
0xa0: {  	[bflag:$0x0] =	sbarrier.arrive $0xFFFF  }
0xa1: {  	_ =	strace $0x90000047  }
0xa2: {  	s0 =	stileid.u32;
	[bflag:$0x2] =	sbarrier.arrive $0xFFFF  }
0xa3: {  	p0 =	sne.s32 s0, $0x0;
	s0 =	rddreg [dreg:$0x3]  }
0xa4: {  	s0 =	sadd.s32 @!p0 $0x100000, s0  }
0xa5: {  	[sflag:s0] =	ssyncadd.tile.s32 @!p0 $0x1;
	_ =	shalt  }
.Lfunc_end2:
_tile_overlayer_lowered:
.L_overlay_start_2:
0xa6: {  	(tag) =	ssettag $0x2  }
0xa7: {  	s0 =	rddreg [dreg:$0x0];
	s2 =	stileid.u32  }
0xa8: {  	s1 =	rddreg [dreg:$0x1];
	p0 =	sne.s32 s2, $0x0  }
0xa9: {  	s3 =	rddreg [dreg:$0x2];
	[bflag:$0x3] =	sbarrier.arrive $0xFFFF;
	s2 =	simm.s32 @!p0 $0x1C03  }
0xaa: {  	[timem:s3], [sflag:s2] =	dma.local @!p0 [hbm:s0], s1  }
0xab: {  	s0 =	simm.s32 @!p0 $0x3  }
0xac: {  	_ =	swait.ge @!p0 [sflag:s0], s1  }
0xad: {  	s1 =	ssub.s32 @!p0 $0x0, s1;
	[sflag:s0] =	ssyncset.done @!p0 $0x0  }
0xae: {  	[sflag:s0] =	ssyncadd.s32 @!p0 s1  }
0xaf: {  	[bflag:$0x3] =	sbarrier.arrive $0xFFFF  }
0xb0: {  	_ =	shalt  }

</sc_bundles>
